<compile_context>
chip_gen: v7x
topology: tpu7x:2x2x1
jax: 0.10.2.dev20260603
libtpu: 0.0.44.dev20260713+nightly
codegen_flags: <defaults>
</compile_context>

<pallas_src>
import functools

import jax
import jax.numpy as jnp
from jax import lax
from jax.experimental import pallas as pl
from jax.experimental.pallas import tpu as pltpu
from jax.experimental.pallas import tpu_sc as plsc

_ROW = 4096
_NW = 32
_ROWS_W = 398
_CH = 7
_NCF = _ROWS_W // _CH
_TAIL = _ROWS_W - _NCF * _CH
_CHW = _CH * _ROW
_PEF = 416


def _splat16(v16, lane):
    idxv = jnp.full((16,), lane, jnp.int32)
    dn = lax.GatherDimensionNumbers(
        offset_dims=(), collapsed_slice_dims=(0,), start_index_map=(0,))
    return lax.gather(v16, idxv[:, None], dn, (1,),
                      mode=lax.GatherScatterMode.PROMISE_IN_BOUNDS)


def _e_body(en_ref, w_ref, eb_ref, out_ref):
    qtr = en_ref.shape[1] // 4
    for j in range(4):
        sl = pl.ds(j * qtr, qtr)
        out_ref[:, sl] = jax.lax.dot_general(
            w_ref[:], en_ref[:, sl], (((0,), (0,)), ((), ())),
            preferred_element_type=jnp.float32) + eb_ref[:]


def _sc_body(tok_hbm, pe_hbm, e_hbm, out_hbm,
             in_buf, out_buf, pe_v, ebuf, in_sems, out_sems):
    c = lax.axis_index("c")
    s = lax.axis_index("s")
    wid = s * 2 + c
    base_row = wid * _ROWS_W

    pe_a = (base_row // 8) * 8
    delta = base_row - pe_a
    pltpu.sync_copy(pe_hbm.at[pl.ds(pe_a, _PEF)], pe_v)

    pltpu.sync_copy(e_hbm.at[pl.ds(wid * 2 * _ROW, 2 * _ROW)], ebuf)
    pltpu.sync_copy(ebuf, out_hbm.at[pl.ds(wid * 2 * _ROW, 2 * _ROW)])

    def in_copy(ci, slot):
        src = (base_row + ci * _CH) * _ROW
        return pltpu.make_async_copy(
            tok_hbm.at[pl.ds(src, _CHW)],
            in_buf.at[pl.ds(slot * _CHW, _CHW)], in_sems.at[slot])

    def out_copy(ci, slot):
        dst = (base_row + ci * _CH + 64) * _ROW
        return pltpu.make_async_copy(
            out_buf.at[pl.ds(slot * _CHW, _CHW)],
            out_hbm.at[pl.ds(dst, _CHW)], out_sems.at[slot])

    in_copy(0, 0).start()
    in_copy(1, 1).start()

    def chunk_add(ci, slot):
        for rr in range(_CH):
            idx = delta + ci * _CH + rr
            basev = (idx // 16) * 16
            v16 = pe_v[pl.ds(basev, 16)]
            splat = _splat16(v16, idx - basev)
            off0 = slot * _CHW + rr * _ROW

            @plsc.parallel_loop(0, _ROW, 16, unroll=8)
            def _(j):
                sl = pl.ds(off0 + j, 16)
                out_buf[sl] = in_buf[sl] + splat

    def loop_body(ci, carry):
        slot = lax.rem(ci, 2)
        in_copy(ci, slot).wait()

        @pl.when(ci >= 2)
        def _():
            out_copy(ci - 2, slot).wait()

        chunk_add(ci, slot)
        out_copy(ci, slot).start()

        @pl.when(ci + 2 < _NCF)
        def _():
            in_copy(ci + 2, slot).start()

        return carry

    lax.fori_loop(0, _NCF, loop_body, 0)
    out_copy(_NCF - 2, lax.rem(_NCF - 2, 2)).wait()
    out_copy(_NCF - 1, lax.rem(_NCF - 1, 2)).wait()

    tsrc = (base_row + _NCF * _CH) * _ROW
    tw = _TAIL * _ROW
    pltpu.sync_copy(tok_hbm.at[pl.ds(tsrc, tw)], in_buf.at[pl.ds(0, tw)])
    for rr in range(_TAIL):
        idx = delta + _NCF * _CH + rr
        basev = (idx // 16) * 16
        v16 = pe_v[pl.ds(basev, 16)]
        splat = _splat16(v16, idx - basev)
        off0 = rr * _ROW

        @plsc.parallel_loop(0, _ROW, 16, unroll=8)
        def _(j):
            sl = pl.ds(off0 + j, 16)
            out_buf[sl] = in_buf[sl] + splat
    pltpu.sync_copy(out_buf.at[pl.ds(0, tw)],
                    out_hbm.at[pl.ds(tsrc + 64 * _ROW, tw)])


def kernel(tokens, energies, W, b, emb):
    batch, n_in, tsz = tokens.shape
    n_tok = emb.shape[0]
    tokens_t = tokens.transpose(1, 2, 0)
    energies_t = energies.T
    eb = (b + emb[0]).reshape(tsz, 1)
    pe_flat = jnp.pad(emb[1:].reshape(n_in * tsz), (0, _PEF))

    resident = pl.BlockSpec(memory_space=pltpu.MemorySpace.VMEM)
    e2d = pl.pallas_call(
        _e_body,
        in_specs=[resident, resident, resident],
        out_specs=resident,
        out_shape=jax.ShapeDtypeStruct((tsz, batch), jnp.float32),
    )(energies_t, W, eb)

    mesh = plsc.VectorSubcoreMesh(core_axis_name="c", subcore_axis_name="s")
    sc = pl.kernel(
        _sc_body,
        out_type=jax.ShapeDtypeStruct((n_tok * tsz * batch,), jnp.float32),
        mesh=mesh,
        compiler_params=pltpu.CompilerParams(use_tc_tiling_on_sc=True),
        scratch_types=[
            pltpu.VMEM((2 * _CHW,), jnp.float32),
            pltpu.VMEM((2 * _CHW,), jnp.float32),
            pltpu.VMEM((_PEF,), jnp.float32),
            pltpu.VMEM((2 * _ROW,), jnp.float32),
            pltpu.SemaphoreType.DMA((2,)),
            pltpu.SemaphoreType.DMA((2,)),
        ],
    )
    out_flat = sc(tokens_t.reshape(-1), pe_flat, e2d.reshape(-1))
    return out_flat.reshape(n_tok, tsz, batch).transpose(2, 0, 1)

# --- scband reference (transcript-rebuilt; emitter-appended) ---
"""Pipeline reference for scband-pos-embedding-44925357916747 (READ-ONLY COPY).

The authoritative reference and input builder live on the scoring server;
editing this copy changes nothing except your own understanding.
"""

import jax, jax.numpy as jnp
import numpy as np

NUM_TOKENS = 200
TOKEN_SIZE = 64
BATCH = 4096

def setup_inputs(seed: int = 0) -> dict:
    key = jax.random.key(seed)
    k1, k2, k3, k4, k5 = jax.random.split(key, 5)
    tokens = jax.random.normal(k1, (BATCH, NUM_TOKENS - 1, TOKEN_SIZE), dtype=jnp.float32)
    energies = jax.random.normal(k2, (BATCH, TOKEN_SIZE), dtype=jnp.float32)
    # Dense(units=token_size) params: in_dim = energies feature dim = TOKEN_SIZE
    W = jax.random.normal(k3, (TOKEN_SIZE, TOKEN_SIZE), dtype=jnp.float32) * (1.0 / np.sqrt(TOKEN_SIZE))
    b = jnp.zeros((TOKEN_SIZE,), dtype=jnp.float32)
    # Embedding table: [num_tokens, token_size]
    emb = jax.random.normal(k4, (NUM_TOKENS, TOKEN_SIZE), dtype=jnp.float32) * 0.05
    return {"tokens": tokens, "energies": energies, "W": W, "b": b, "emb": emb}

def reference(tokens, energies, W, b, emb):
    # e = reshape(linear(energies)) -> [B, 1, token_size]
    e = (energies @ W + b)[:, None, :]
    # x = concat([e, tokens], axis=1) -> [B, num_tokens, token_size]
    x = jnp.concatenate([e, tokens], axis=1)
    # positions = range(num_tokens); gather from embedding table
    positions = jnp.arange(NUM_TOKENS, dtype=jnp.int32)
    pos_emb = jnp.take(emb, positions, axis=0)  # [num_tokens, token_size]
    encoded = x + pos_emb[None, :, :]
    return encoded

if __name__ == "__main__":
    import jax
    _d = setup_inputs()
    print(jax.jit(kernel)(*tuple(_d.values())))

</pallas_src>

<mosaic_0001>
#map = affine_map<(d0, d1) -> (0)>
module attributes {stable_mosaic.version = 14 : i64} {
  func.func @_sc_body(%arg0: i32, %arg1: i32, %arg2: memref<52166656xf32, #tpu.memory_space<hbm>>, %arg3: memref<13152xf32, #tpu.memory_space<hbm>>, %arg4: memref<262144xf32, #tpu.memory_space<hbm>>, %arg5: memref<52428800xf32, #tpu.memory_space<hbm>>, %arg6: memref<57344xf32, #tpu.memory_space<vmem>>, %arg7: memref<57344xf32, #tpu.memory_space<vmem>>, %arg8: memref<416xf32, #tpu.memory_space<vmem>>, %arg9: memref<8192xf32, #tpu.memory_space<vmem>>, %arg10: memref<2x!tpu.dma_semaphore, #tpu.memory_space<semaphore_mem>>, %arg11: memref<2x!tpu.dma_semaphore, #tpu.memory_space<semaphore_mem>>) attributes {dimension_semantics = [#tpu.dimension_semantics<core_parallel>, #tpu.dimension_semantics<subcore_parallel>], iteration_bounds = array<i64: 2, 16>, scalar_prefetch = 0 : i64, scratch_operands = 6 : i64, tpu.core_type = #tpu.core_type<sc_vector_subcore>, window_params = [{transform_indices = #map}, {transform_indices = #map}, {transform_indices = #map}, {transform_indices = #map}]} {
    %mul3A = arith.constant 2 : i32
    %mul3A_0 = arith.muli %arg1, %mul3A : i32
    %add3A = arith.addi %mul3A_0, %arg0 : i32
    %mul3A_1 = arith.constant 398 : i32
    %mul3A_2 = arith.muli %add3A, %mul3A_1 : i32
    %jit3A = arith.constant 8 : i32
    %div3A = arith.divsi %mul3A_2, %jit3A : i32
    %sign3A = arith.constant 0 : i32
    %sign3A_3 = arith.cmpi sgt, %mul3A_2, %sign3A : i32
    %sign3A_4 = arith.extui %sign3A_3 : i1 to i32
    %sign3A_5 = arith.constant 0 : i32
    %sign3A_6 = arith.cmpi slt, %mul3A_2, %sign3A_5 : i32
    %sign3A_7 = arith.extui %sign3A_6 : i1 to i32
    %sign3A_8 = arith.subi %sign3A_4, %sign3A_7 : i32
    %sign3A_9 = arith.constant 0 : i32
    %sign3A_10 = arith.cmpi sgt, %jit3A, %sign3A_9 : i32
    %sign3A_11 = arith.extui %sign3A_10 : i1 to i32
    %sign3A_12 = arith.constant 0 : i32
    %sign3A_13 = arith.cmpi slt, %jit3A, %sign3A_12 : i32
    %sign3A_14 = arith.extui %sign3A_13 : i1 to i32
    %sign3A_15 = arith.subi %sign3A_11, %sign3A_14 : i32
    %ne3A = arith.cmpi ne, %sign3A_8, %sign3A_15 : i32
    %rem3A = arith.remsi %mul3A_2, %jit3A : i32
    %ne3A_16 = arith.constant 0 : i32
    %ne3A_17 = arith.cmpi ne, %rem3A, %ne3A_16 : i32
    %and3A = arith.andi %ne3A, %ne3A_17 : i1
    %sub3A = arith.constant 1 : i32
    %sub3A_18 = arith.subi %div3A, %sub3A : i32
    %select_n3A = arith.select %and3A, %sub3A_18, %div3A : i32
    %mul3A_19 = arith.constant 8 : i32
    %mul3A_20 = arith.muli %select_n3A, %mul3A_19 : i32
    %sub3A_21 = arith.subi %mul3A_2, %mul3A_20 : i32
    "tpu.region"() ({
      %run_scoped3A = tpu.sem_alloc : memref<!tpu.dma_semaphore, #tpu.memory_space<semaphore_mem>>
      %dma_start3A_341 = tpu.memref_slice %arg3[%mul3A_20] : memref<13152xf32, #tpu.memory_space<hbm>> -> memref<416xf32, #tpu.memory_space<hbm>>
      %dma_start3A_342 = tpu.memref_slice %arg3[%mul3A_20] : memref<13152xf32, #tpu.memory_space<hbm>> -> memref<416xf32, #tpu.memory_space<hbm>>
      tpu.enqueue_dma source(%dma_start3A_342 : memref<416xf32, #tpu.memory_space<hbm>>) target(%arg8 : memref<416xf32, #tpu.memory_space<vmem>>) target_semaphore(%run_scoped3A : memref<!tpu.dma_semaphore, #tpu.memory_space<semaphore_mem>>)
      %dma_wait3A_343 = tpu.memref_slice %arg3[%mul3A_20] : memref<13152xf32, #tpu.memory_space<hbm>> -> memref<416xf32, #tpu.memory_space<hbm>>
      %dma_wait3A_344 = tpu.memref_slice %arg3[%mul3A_20] : memref<13152xf32, #tpu.memory_space<hbm>> -> memref<416xf32, #tpu.memory_space<hbm>>
      tpu.wait_dma2 semaphore(%run_scoped3A : memref<!tpu.dma_semaphore, #tpu.memory_space<semaphore_mem>>) src(%dma_wait3A_344 : memref<416xf32, #tpu.memory_space<hbm>>) dst(%arg8 : memref<416xf32, #tpu.memory_space<vmem>>)
      tpu.yield
    }) : () -> ()
    %mul3A_22 = arith.constant 2 : i32
    %mul3A_23 = arith.muli %add3A, %mul3A_22 : i32
    %mul3A_24 = arith.constant 4096 : i32
    %mul3A_25 = arith.muli %mul3A_23, %mul3A_24 : i32
    "tpu.region"() ({
      %run_scoped3A = tpu.sem_alloc : memref<!tpu.dma_semaphore, #tpu.memory_space<semaphore_mem>>
      %dma_start3A_341 = tpu.memref_slice %arg4[%mul3A_25] : memref<262144xf32, #tpu.memory_space<hbm>> -> memref<8192xf32, #tpu.memory_space<hbm>>
      %dma_start3A_342 = tpu.memref_slice %arg4[%mul3A_25] : memref<262144xf32, #tpu.memory_space<hbm>> -> memref<8192xf32, #tpu.memory_space<hbm>>
      tpu.enqueue_dma source(%dma_start3A_342 : memref<8192xf32, #tpu.memory_space<hbm>>) target(%arg9 : memref<8192xf32, #tpu.memory_space<vmem>>) target_semaphore(%run_scoped3A : memref<!tpu.dma_semaphore, #tpu.memory_space<semaphore_mem>>)
      %dma_wait3A_343 = tpu.memref_slice %arg4[%mul3A_25] : memref<262144xf32, #tpu.memory_space<hbm>> -> memref<8192xf32, #tpu.memory_space<hbm>>
      %dma_wait3A_344 = tpu.memref_slice %arg4[%mul3A_25] : memref<262144xf32, #tpu.memory_space<hbm>> -> memref<8192xf32, #tpu.memory_space<hbm>>
      tpu.wait_dma2 semaphore(%run_scoped3A : memref<!tpu.dma_semaphore, #tpu.memory_space<semaphore_mem>>) src(%dma_wait3A_344 : memref<8192xf32, #tpu.memory_space<hbm>>) dst(%arg9 : memref<8192xf32, #tpu.memory_space<vmem>>)
      tpu.yield
    }) : () -> ()
    %mul3A_26 = arith.constant 2 : i32
    %mul3A_27 = arith.muli %add3A, %mul3A_26 : i32
    %mul3A_28 = arith.constant 4096 : i32
    %mul3A_29 = arith.muli %mul3A_27, %mul3A_28 : i32
    "tpu.region"() ({
      %run_scoped3A = tpu.sem_alloc : memref<!tpu.dma_semaphore, #tpu.memory_space<semaphore_mem>>
      %dma_start3A_341 = tpu.memref_slice %arg5[%mul3A_29] : memref<52428800xf32, #tpu.memory_space<hbm>> -> memref<8192xf32, #tpu.memory_space<hbm>>
      %dma_start3A_342 = tpu.memref_slice %arg5[%mul3A_29] : memref<52428800xf32, #tpu.memory_space<hbm>> -> memref<8192xf32, #tpu.memory_space<hbm>>
      tpu.enqueue_dma source(%arg9 : memref<8192xf32, #tpu.memory_space<vmem>>) target(%dma_start3A_342 : memref<8192xf32, #tpu.memory_space<hbm>>) target_semaphore(%run_scoped3A : memref<!tpu.dma_semaphore, #tpu.memory_space<semaphore_mem>>)
      %dma_wait3A_343 = tpu.memref_slice %arg5[%mul3A_29] : memref<52428800xf32, #tpu.memory_space<hbm>> -> memref<8192xf32, #tpu.memory_space<hbm>>
      %dma_wait3A_344 = tpu.memref_slice %arg5[%mul3A_29] : memref<52428800xf32, #tpu.memory_space<hbm>> -> memref<8192xf32, #tpu.memory_space<hbm>>
      tpu.wait_dma2 semaphore(%run_scoped3A : memref<!tpu.dma_semaphore, #tpu.memory_space<semaphore_mem>>) src(%arg9 : memref<8192xf32, #tpu.memory_space<vmem>>) dst(%dma_wait3A_344 : memref<8192xf32, #tpu.memory_space<hbm>>)
      tpu.yield
    }) : () -> ()
    %add3A_30 = arith.constant 0 : i32
    %add3A_31 = arith.addi %mul3A_2, %add3A_30 : i32
    %mul3A_32 = arith.constant 4096 : i32
    %mul3A_33 = arith.muli %add3A_31, %mul3A_32 : i32
    %dma_start3A = arith.constant 0 : i32
    %dma_start3A_34 = arith.constant 0 : i32
    %dma_start3A_35 = tpu.memref_slice %arg6[%dma_start3A_34] : memref<57344xf32, #tpu.memory_space<vmem>> -> memref<28672xf32, #tpu.memory_space<vmem>>
    %dma_start3A_36 = tpu.memref_slice %arg2[%mul3A_33] : memref<52166656xf32, #tpu.memory_space<hbm>> -> memref<28672xf32, #tpu.memory_space<hbm>>
    %dma_start3A_37 = tpu.memref_slice %arg10[%dma_start3A] : memref<2x!tpu.dma_semaphore, #tpu.memory_space<semaphore_mem>> -> memref<1x!tpu.dma_semaphore, #tpu.memory_space<semaphore_mem>>
    %dma_start3A_38 = tpu.memref_squeeze %dma_start3A_37 : memref<1x!tpu.dma_semaphore, #tpu.memory_space<semaphore_mem>> -> memref<!tpu.dma_semaphore, #tpu.memory_space<semaphore_mem>>
    %dma_start3A_39 = arith.constant 0 : i32
    %dma_start3A_40 = tpu.memref_slice %arg6[%dma_start3A_39] : memref<57344xf32, #tpu.memory_space<vmem>> -> memref<28672xf32, #tpu.memory_space<vmem>>
    %dma_start3A_41 = tpu.memref_slice %arg2[%mul3A_33] : memref<52166656xf32, #tpu.memory_space<hbm>> -> memref<28672xf32, #tpu.memory_space<hbm>>
    tpu.enqueue_dma source(%dma_start3A_41 : memref<28672xf32, #tpu.memory_space<hbm>>) target(%dma_start3A_40 : memref<28672xf32, #tpu.memory_space<vmem>>) target_semaphore(%dma_start3A_38 : memref<!tpu.dma_semaphore, #tpu.memory_space<semaphore_mem>>)
    %add3A_42 = arith.constant 7 : i32
    %add3A_43 = arith.addi %mul3A_2, %add3A_42 : i32
    %mul3A_44 = arith.constant 4096 : i32
    %mul3A_45 = arith.muli %add3A_43, %mul3A_44 : i32
    %dma_start3A_46 = arith.constant 1 : i32
    %dma_start3A_47 = arith.constant 28672 : i32
    %dma_start3A_48 = tpu.memref_slice %arg6[%dma_start3A_47] : memref<57344xf32, #tpu.memory_space<vmem>> -> memref<28672xf32, #tpu.memory_space<vmem>>
    %dma_start3A_49 = tpu.memref_slice %arg2[%mul3A_45] : memref<52166656xf32, #tpu.memory_space<hbm>> -> memref<28672xf32, #tpu.memory_space<hbm>>
    %dma_start3A_50 = tpu.memref_slice %arg10[%dma_start3A_46] : memref<2x!tpu.dma_semaphore, #tpu.memory_space<semaphore_mem>> -> memref<1x!tpu.dma_semaphore, #tpu.memory_space<semaphore_mem>>
    %dma_start3A_51 = tpu.memref_squeeze %dma_start3A_50 : memref<1x!tpu.dma_semaphore, #tpu.memory_space<semaphore_mem>> -> memref<!tpu.dma_semaphore, #tpu.memory_space<semaphore_mem>>
    %dma_start3A_52 = arith.constant 28672 : i32
    %dma_start3A_53 = tpu.memref_slice %arg6[%dma_start3A_52] : memref<57344xf32, #tpu.memory_space<vmem>> -> memref<28672xf32, #tpu.memory_space<vmem>>
    %dma_start3A_54 = tpu.memref_slice %arg2[%mul3A_45] : memref<52166656xf32, #tpu.memory_space<hbm>> -> memref<28672xf32, #tpu.memory_space<hbm>>
    tpu.enqueue_dma source(%dma_start3A_54 : memref<28672xf32, #tpu.memory_space<hbm>>) target(%dma_start3A_53 : memref<28672xf32, #tpu.memory_space<vmem>>) target_semaphore(%dma_start3A_51 : memref<!tpu.dma_semaphore, #tpu.memory_space<semaphore_mem>>)
    %scan3A = arith.constant 0 : i32
    %scan3A_55 = arith.constant 0 : i32
    %scan3A_56 = arith.constant 56 : i32
    %scan3A_57 = arith.addi %scan3A_55, %scan3A_56 : i32
    %scan3A_58 = arith.constant 1 : i32
    scf.for %scan3A_341 = %scan3A_55 to %scan3A_57 step %scan3A_58  : i32 {
      %rem3A_342 = arith.constant 2 : i32
      %rem3A_343 = arith.remsi %scan3A_341, %rem3A_342 : i32
      %mul3A_344 = arith.constant 7 : i32
      %mul3A_345 = arith.muli %scan3A_341, %mul3A_344 : i32
      %add3A_346 = arith.addi %mul3A_2, %mul3A_345 : i32
      %mul3A_347 = arith.constant 4096 : i32
      %mul3A_348 = arith.muli %add3A_346, %mul3A_347 : i32
      %mul3A_349 = arith.constant 28672 : i32
      %mul3A_350 = arith.muli %rem3A_343, %mul3A_349 : i32
      %dma_wait3A_351 = tpu.memref_slice %arg6[%mul3A_350] : memref<57344xf32, #tpu.memory_space<vmem>> -> memref<28672xf32, #tpu.memory_space<vmem>>
      %dma_wait3A_352 = tpu.memref_slice %arg2[%mul3A_348] : memref<52166656xf32, #tpu.memory_space<hbm>> -> memref<28672xf32, #tpu.memory_space<hbm>>
      %dma_wait3A_353 = tpu.memref_slice %arg10[%rem3A_343] : memref<2x!tpu.dma_semaphore, #tpu.memory_space<semaphore_mem>> -> memref<1x!tpu.dma_semaphore, #tpu.memory_space<semaphore_mem>>
      %dma_wait3A_354 = tpu.memref_squeeze %dma_wait3A_353 : memref<1x!tpu.dma_semaphore, #tpu.memory_space<semaphore_mem>> -> memref<!tpu.dma_semaphore, #tpu.memory_space<semaphore_mem>>
      %dma_wait3A_355 = tpu.memref_slice %arg6[%mul3A_350] : memref<57344xf32, #tpu.memory_space<vmem>> -> memref<28672xf32, #tpu.memory_space<vmem>>
      %dma_wait3A_356 = tpu.memref_slice %arg2[%mul3A_348] : memref<52166656xf32, #tpu.memory_space<hbm>> -> memref<28672xf32, #tpu.memory_space<hbm>>
      tpu.wait_dma2 semaphore(%dma_wait3A_354 : memref<!tpu.dma_semaphore, #tpu.memory_space<semaphore_mem>>) src(%dma_wait3A_356 : memref<28672xf32, #tpu.memory_space<hbm>>) dst(%dma_wait3A_355 : memref<28672xf32, #tpu.memory_space<vmem>>)
      %ge3A = arith.constant 2 : i32
      %ge3A_357 = arith.cmpi sge, %scan3A_341, %ge3A : i32
      %convert_element_type3A = arith.extui %ge3A_357 : i1 to i32
      %cond3A = arith.constant 0 : i32
      %cond3A_358 = arith.cmpi ne, %convert_element_type3A, %cond3A : i32
      scf.if %cond3A_358 {
        %sub3A_702 = arith.constant 2 : i32
        %sub3A_703 = arith.subi %scan3A_341, %sub3A_702 : i32
        %mul3A_704 = arith.constant 7 : i32
        %mul3A_705 = arith.muli %sub3A_703, %mul3A_704 : i32
        %add3A_706 = arith.addi %mul3A_2, %mul3A_705 : i32
        %add3A_707 = arith.constant 64 : i32
        %add3A_708 = arith.addi %add3A_706, %add3A_707 : i32
        %mul3A_709 = arith.constant 4096 : i32
        %mul3A_710 = arith.muli %add3A_708, %mul3A_709 : i32
        %mul3A_711 = arith.constant 28672 : i32
        %mul3A_712 = arith.muli %rem3A_343, %mul3A_711 : i32
        %dma_wait3A_713 = tpu.memref_slice %arg7[%mul3A_712] : memref<57344xf32, #tpu.memory_space<vmem>> -> memref<28672xf32, #tpu.memory_space<vmem>>
        %dma_wait3A_714 = tpu.memref_slice %arg5[%mul3A_710] : memref<52428800xf32, #tpu.memory_space<hbm>> -> memref<28672xf32, #tpu.memory_space<hbm>>
        %dma_wait3A_715 = tpu.memref_slice %arg11[%rem3A_343] : memref<2x!tpu.dma_semaphore, #tpu.memory_space<semaphore_mem>> -> memref<1x!tpu.dma_semaphore, #tpu.memory_space<semaphore_mem>>
        %dma_wait3A_716 = tpu.memref_squeeze %dma_wait3A_715 : memref<1x!tpu.dma_semaphore, #tpu.memory_space<semaphore_mem>> -> memref<!tpu.dma_semaphore, #tpu.memory_space<semaphore_mem>>
        %dma_wait3A_717 = tpu.memref_slice %arg5[%mul3A_710] : memref<52428800xf32, #tpu.memory_space<hbm>> -> memref<28672xf32, #tpu.memory_space<hbm>>
        %dma_wait3A_718 = tpu.memref_slice %arg7[%mul3A_712] : memref<57344xf32, #tpu.memory_space<vmem>> -> memref<28672xf32, #tpu.memory_space<vmem>>
        tpu.wait_dma2 semaphore(%dma_wait3A_716 : memref<!tpu.dma_semaphore, #tpu.memory_space<semaphore_mem>>) src(%dma_wait3A_718 : memref<28672xf32, #tpu.memory_space<vmem>>) dst(%dma_wait3A_717 : memref<28672xf32, #tpu.memory_space<hbm>>)
      } else {
      }
      %mul3A_359 = arith.constant 7 : i32
      %mul3A_360 = arith.muli %scan3A_341, %mul3A_359 : i32
      %add3A_361 = arith.addi %sub3A_21, %mul3A_360 : i32
      %add3A_362 = arith.constant 0 : i32
      %add3A_363 = arith.addi %add3A_361, %add3A_362 : i32
      %jit3A_364 = arith.constant 16 : i32
      %div3A_365 = arith.divsi %add3A_363, %jit3A_364 : i32
      %sign3A_366 = arith.constant 0 : i32
      %sign3A_367 = arith.cmpi sgt, %add3A_363, %sign3A_366 : i32
      %sign3A_368 = arith.extui %sign3A_367 : i1 to i32
      %sign3A_369 = arith.constant 0 : i32
      %sign3A_370 = arith.cmpi slt, %add3A_363, %sign3A_369 : i32
      %sign3A_371 = arith.extui %sign3A_370 : i1 to i32
      %sign3A_372 = arith.subi %sign3A_368, %sign3A_371 : i32
      %sign3A_373 = arith.constant 0 : i32
      %sign3A_374 = arith.cmpi sgt, %jit3A_364, %sign3A_373 : i32
      %sign3A_375 = arith.extui %sign3A_374 : i1 to i32
      %sign3A_376 = arith.constant 0 : i32
      %sign3A_377 = arith.cmpi slt, %jit3A_364, %sign3A_376 : i32
      %sign3A_378 = arith.extui %sign3A_377 : i1 to i32
      %sign3A_379 = arith.subi %sign3A_375, %sign3A_378 : i32
      %ne3A_380 = arith.cmpi ne, %sign3A_372, %sign3A_379 : i32
      %rem3A_381 = arith.remsi %add3A_363, %jit3A_364 : i32
      %ne3A_382 = arith.constant 0 : i32
      %ne3A_383 = arith.cmpi ne, %rem3A_381, %ne3A_382 : i32
      %and3A_384 = arith.andi %ne3A_380, %ne3A_383 : i1
      %sub3A_385 = arith.constant 1 : i32
      %sub3A_386 = arith.subi %div3A_365, %sub3A_385 : i32
      %select_n3A_387 = arith.select %and3A_384, %sub3A_386, %div3A_365 : i32
      %mul3A_388 = arith.constant 16 : i32
      %mul3A_389 = arith.muli %select_n3A_387, %mul3A_388 : i32
      %get3A_390 = arith.index_cast %mul3A_389 : i32 to index
      %get3A_391 = tpu.vector_load %arg8[%get3A_390] {strides = array<i32>} : memref<416xf32, #tpu.memory_space<vmem>>, vector<16xf32>,
      %get3A_392 = vector.shape_cast %get3A_391 : vector<16xf32> to vector<16xf32>
      %sub3A_393 = arith.subi %add3A_363, %mul3A_389 : i32
      %broadcast_in_dim3A_394 = vector.broadcast %sub3A_393 : i32 to vector<16xi32>
      %broadcast_in_dim3A_395 = vector.shape_cast %broadcast_in_dim3A_394 : vector<16xi32> to vector<16x1xi32>
      %gather3A_396 = vector.shape_cast %broadcast_in_dim3A_395 : vector<16x1xi32> to vector<16xi32>
      %gather3A_397 = tpu.dynamic_gather %get3A_392[%gather3A_396] in [0] : vector<16xf32>, vector<16xi32> -> vector<16xf32>
      %mul3A_398 = arith.constant 28672 : i32
      %mul3A_399 = arith.muli %rem3A_343, %mul3A_398 : i32
      %add3A_400 = arith.constant 0 : i32
      %add3A_401 = arith.addi %mul3A_399, %add3A_400 : i32
      %parallel_loop3A_402 = arith.constant 0 : i32
      %parallel_loop3A_403 = arith.constant 4096 : i32
      %parallel_loop3A_404 = arith.constant 16 : i32
      scf.for %parallel_loop3A_702 = %parallel_loop3A_402 to %parallel_loop3A_403 step %parallel_loop3A_404  : i32 {
        %parallel_loop3A_703 = arith.addi %add3A_401, %parallel_loop3A_702 : i32
        %parallel_loop3A_704 = arith.index_cast %parallel_loop3A_703 : i32 to index
        %parallel_loop3A_705 = tpu.vector_load %arg6[%parallel_loop3A_704] {strides = array<i32>} : memref<57344xf32, #tpu.memory_space<vmem>>, vector<16xf32>,
        %parallel_loop3A_706 = vector.shape_cast %parallel_loop3A_705 : vector<16xf32> to vector<16xf32>
        %parallel_loop3A_707 = arith.addf %parallel_loop3A_706, %gather3A_397 : vector<16xf32>
        %parallel_loop3A_708 = arith.index_cast %parallel_loop3A_703 : i32 to index
        %parallel_loop3A_709 = tpu.vector_load %arg7[%parallel_loop3A_708] {strides = array<i32>} : memref<57344xf32, #tpu.memory_space<vmem>>, vector<16xf32>,
        %parallel_loop3A_710 = vector.shape_cast %parallel_loop3A_709 : vector<16xf32> to vector<16xf32>
        %parallel_loop3A_711 = vector.shape_cast %parallel_loop3A_707 : vector<16xf32> to vector<16xf32>
        tpu.vector_store %arg7[%parallel_loop3A_708], %parallel_loop3A_711 {strides = array<i32>} : memref<57344xf32, #tpu.memory_space<vmem>>, vector<16xf32>,
      } {sc.loop_unroll_factor = 8 : i64, sc.parallel_access}
      %mul3A_405 = arith.constant 7 : i32
      %mul3A_406 = arith.muli %scan3A_341, %mul3A_405 : i32
      %add3A_407 = arith.addi %sub3A_21, %mul3A_406 : i32
      %add3A_408 = arith.constant 1 : i32
      %add3A_409 = arith.addi %add3A_407, %add3A_408 : i32
      %jit3A_410 = arith.constant 16 : i32
      %div3A_411 = arith.divsi %add3A_409, %jit3A_410 : i32
      %sign3A_412 = arith.constant 0 : i32
      %sign3A_413 = arith.cmpi sgt, %add3A_409, %sign3A_412 : i32
      %sign3A_414 = arith.extui %sign3A_413 : i1 to i32
      %sign3A_415 = arith.constant 0 : i32
      %sign3A_416 = arith.cmpi slt, %add3A_409, %sign3A_415 : i32
      %sign3A_417 = arith.extui %sign3A_416 : i1 to i32
      %sign3A_418 = arith.subi %sign3A_414, %sign3A_417 : i32
      %sign3A_419 = arith.constant 0 : i32
      %sign3A_420 = arith.cmpi sgt, %jit3A_410, %sign3A_419 : i32
      %sign3A_421 = arith.extui %sign3A_420 : i1 to i32
      %sign3A_422 = arith.constant 0 : i32
      %sign3A_423 = arith.cmpi slt, %jit3A_410, %sign3A_422 : i32
      %sign3A_424 = arith.extui %sign3A_423 : i1 to i32
      %sign3A_425 = arith.subi %sign3A_421, %sign3A_424 : i32
      %ne3A_426 = arith.cmpi ne, %sign3A_418, %sign3A_425 : i32
      %rem3A_427 = arith.remsi %add3A_409, %jit3A_410 : i32
      %ne3A_428 = arith.constant 0 : i32
      %ne3A_429 = arith.cmpi ne, %rem3A_427, %ne3A_428 : i32
      %and3A_430 = arith.andi %ne3A_426, %ne3A_429 : i1
      %sub3A_431 = arith.constant 1 : i32
      %sub3A_432 = arith.subi %div3A_411, %sub3A_431 : i32
      %select_n3A_433 = arith.select %and3A_430, %sub3A_432, %div3A_411 : i32
      %mul3A_434 = arith.constant 16 : i32
      %mul3A_435 = arith.muli %select_n3A_433, %mul3A_434 : i32
      %get3A_436 = arith.index_cast %mul3A_435 : i32 to index
      %get3A_437 = tpu.vector_load %arg8[%get3A_436] {strides = array<i32>} : memref<416xf32, #tpu.memory_space<vmem>>, vector<16xf32>,
      %get3A_438 = vector.shape_cast %get3A_437 : vector<16xf32> to vector<16xf32>
      %sub3A_439 = arith.subi %add3A_409, %mul3A_435 : i32
      %broadcast_in_dim3A_440 = vector.broadcast %sub3A_439 : i32 to vector<16xi32>
      %broadcast_in_dim3A_441 = vector.shape_cast %broadcast_in_dim3A_440 : vector<16xi32> to vector<16x1xi32>
      %gather3A_442 = vector.shape_cast %broadcast_in_dim3A_441 : vector<16x1xi32> to vector<16xi32>
      %gather3A_443 = tpu.dynamic_gather %get3A_438[%gather3A_442] in [0] : vector<16xf32>, vector<16xi32> -> vector<16xf32>
      %mul3A_444 = arith.constant 28672 : i32
      %mul3A_445 = arith.muli %rem3A_343, %mul3A_444 : i32
      %add3A_446 = arith.constant 4096 : i32
      %add3A_447 = arith.addi %mul3A_445, %add3A_446 : i32
      %parallel_loop3A_448 = arith.constant 0 : i32
      %parallel_loop3A_449 = arith.constant 4096 : i32
      %parallel_loop3A_450 = arith.constant 16 : i32
      scf.for %parallel_loop3A_702 = %parallel_loop3A_448 to %parallel_loop3A_449 step %parallel_loop3A_450  : i32 {
        %parallel_loop3A_703 = arith.addi %add3A_447, %parallel_loop3A_702 : i32
        %parallel_loop3A_704 = arith.index_cast %parallel_loop3A_703 : i32 to index
        %parallel_loop3A_705 = tpu.vector_load %arg6[%parallel_loop3A_704] {strides = array<i32>} : memref<57344xf32, #tpu.memory_space<vmem>>, vector<16xf32>,
        %parallel_loop3A_706 = vector.shape_cast %parallel_loop3A_705 : vector<16xf32> to vector<16xf32>
        %parallel_loop3A_707 = arith.addf %parallel_loop3A_706, %gather3A_443 : vector<16xf32>
        %parallel_loop3A_708 = arith.index_cast %parallel_loop3A_703 : i32 to index
        %parallel_loop3A_709 = tpu.vector_load %arg7[%parallel_loop3A_708] {strides = array<i32>} : memref<57344xf32, #tpu.memory_space<vmem>>, vector<16xf32>,
        %parallel_loop3A_710 = vector.shape_cast %parallel_loop3A_709 : vector<16xf32> to vector<16xf32>
        %parallel_loop3A_711 = vector.shape_cast %parallel_loop3A_707 : vector<16xf32> to vector<16xf32>
        tpu.vector_store %arg7[%parallel_loop3A_708], %parallel_loop3A_711 {strides = array<i32>} : memref<57344xf32, #tpu.memory_space<vmem>>, vector<16xf32>,
      } {sc.loop_unroll_factor = 8 : i64, sc.parallel_access}
      %mul3A_451 = arith.constant 7 : i32
      %mul3A_452 = arith.muli %scan3A_341, %mul3A_451 : i32
      %add3A_453 = arith.addi %sub3A_21, %mul3A_452 : i32
      %add3A_454 = arith.constant 2 : i32
      %add3A_455 = arith.addi %add3A_453, %add3A_454 : i32
      %jit3A_456 = arith.constant 16 : i32
      %div3A_457 = arith.divsi %add3A_455, %jit3A_456 : i32
      %sign3A_458 = arith.constant 0 : i32
      %sign3A_459 = arith.cmpi sgt, %add3A_455, %sign3A_458 : i32
      %sign3A_460 = arith.extui %sign3A_459 : i1 to i32
      %sign3A_461 = arith.constant 0 : i32
      %sign3A_462 = arith.cmpi slt, %add3A_455, %sign3A_461 : i32
      %sign3A_463 = arith.extui %sign3A_462 : i1 to i32
      %sign3A_464 = arith.subi %sign3A_460, %sign3A_463 : i32
      %sign3A_465 = arith.constant 0 : i32
      %sign3A_466 = arith.cmpi sgt, %jit3A_456, %sign3A_465 : i32
      %sign3A_467 = arith.extui %sign3A_466 : i1 to i32
      %sign3A_468 = arith.constant 0 : i32
      %sign3A_469 = arith.cmpi slt, %jit3A_456, %sign3A_468 : i32
      %sign3A_470 = arith.extui %sign3A_469 : i1 to i32
      %sign3A_471 = arith.subi %sign3A_467, %sign3A_470 : i32
      %ne3A_472 = arith.cmpi ne, %sign3A_464, %sign3A_471 : i32
      %rem3A_473 = arith.remsi %add3A_455, %jit3A_456 : i32
      %ne3A_474 = arith.constant 0 : i32
      %ne3A_475 = arith.cmpi ne, %rem3A_473, %ne3A_474 : i32
      %and3A_476 = arith.andi %ne3A_472, %ne3A_475 : i1
      %sub3A_477 = arith.constant 1 : i32
      %sub3A_478 = arith.subi %div3A_457, %sub3A_477 : i32
      %select_n3A_479 = arith.select %and3A_476, %sub3A_478, %div3A_457 : i32
      %mul3A_480 = arith.constant 16 : i32
      %mul3A_481 = arith.muli %select_n3A_479, %mul3A_480 : i32
      %get3A_482 = arith.index_cast %mul3A_481 : i32 to index
      %get3A_483 = tpu.vector_load %arg8[%get3A_482] {strides = array<i32>} : memref<416xf32, #tpu.memory_space<vmem>>, vector<16xf32>,
      %get3A_484 = vector.shape_cast %get3A_483 : vector<16xf32> to vector<16xf32>
      %sub3A_485 = arith.subi %add3A_455, %mul3A_481 : i32
      %broadcast_in_dim3A_486 = vector.broadcast %sub3A_485 : i32 to vector<16xi32>
      %broadcast_in_dim3A_487 = vector.shape_cast %broadcast_in_dim3A_486 : vector<16xi32> to vector<16x1xi32>
      %gather3A_488 = vector.shape_cast %broadcast_in_dim3A_487 : vector<16x1xi32> to vector<16xi32>
      %gather3A_489 = tpu.dynamic_gather %get3A_484[%gather3A_488] in [0] : vector<16xf32>, vector<16xi32> -> vector<16xf32>
      %mul3A_490 = arith.constant 28672 : i32
      %mul3A_491 = arith.muli %rem3A_343, %mul3A_490 : i32
      %add3A_492 = arith.constant 8192 : i32
      %add3A_493 = arith.addi %mul3A_491, %add3A_492 : i32
      %parallel_loop3A_494 = arith.constant 0 : i32
      %parallel_loop3A_495 = arith.constant 4096 : i32
      %parallel_loop3A_496 = arith.constant 16 : i32
      scf.for %parallel_loop3A_702 = %parallel_loop3A_494 to %parallel_loop3A_495 step %parallel_loop3A_496  : i32 {
        %parallel_loop3A_703 = arith.addi %add3A_493, %parallel_loop3A_702 : i32
        %parallel_loop3A_704 = arith.index_cast %parallel_loop3A_703 : i32 to index
        %parallel_loop3A_705 = tpu.vector_load %arg6[%parallel_loop3A_704] {strides = array<i32>} : memref<57344xf32, #tpu.memory_space<vmem>>, vector<16xf32>,
        %parallel_loop3A_706 = vector.shape_cast %parallel_loop3A_705 : vector<16xf32> to vector<16xf32>
        %parallel_loop3A_707 = arith.addf %parallel_loop3A_706, %gather3A_489 : vector<16xf32>
        %parallel_loop3A_708 = arith.index_cast %parallel_loop3A_703 : i32 to index
        %parallel_loop3A_709 = tpu.vector_load %arg7[%parallel_loop3A_708] {strides = array<i32>} : memref<57344xf32, #tpu.memory_space<vmem>>, vector<16xf32>,
        %parallel_loop3A_710 = vector.shape_cast %parallel_loop3A_709 : vector<16xf32> to vector<16xf32>
        %parallel_loop3A_711 = vector.shape_cast %parallel_loop3A_707 : vector<16xf32> to vector<16xf32>
        tpu.vector_store %arg7[%parallel_loop3A_708], %parallel_loop3A_711 {strides = array<i32>} : memref<57344xf32, #tpu.memory_space<vmem>>, vector<16xf32>,
      } {sc.loop_unroll_factor = 8 : i64, sc.parallel_access}
      %mul3A_497 = arith.constant 7 : i32
      %mul3A_498 = arith.muli %scan3A_341, %mul3A_497 : i32
      %add3A_499 = arith.addi %sub3A_21, %mul3A_498 : i32
      %add3A_500 = arith.constant 3 : i32
      %add3A_501 = arith.addi %add3A_499, %add3A_500 : i32
      %jit3A_502 = arith.constant 16 : i32
      %div3A_503 = arith.divsi %add3A_501, %jit3A_502 : i32
      %sign3A_504 = arith.constant 0 : i32
      %sign3A_505 = arith.cmpi sgt, %add3A_501, %sign3A_504 : i32
      %sign3A_506 = arith.extui %sign3A_505 : i1 to i32
      %sign3A_507 = arith.constant 0 : i32
      %sign3A_508 = arith.cmpi slt, %add3A_501, %sign3A_507 : i32
      %sign3A_509 = arith.extui %sign3A_508 : i1 to i32
      %sign3A_510 = arith.subi %sign3A_506, %sign3A_509 : i32
      %sign3A_511 = arith.constant 0 : i32
      %sign3A_512 = arith.cmpi sgt, %jit3A_502, %sign3A_511 : i32
      %sign3A_513 = arith.extui %sign3A_512 : i1 to i32
      %sign3A_514 = arith.constant 0 : i32
      %sign3A_515 = arith.cmpi slt, %jit3A_502, %sign3A_514 : i32
      %sign3A_516 = arith.extui %sign3A_515 : i1 to i32
      %sign3A_517 = arith.subi %sign3A_513, %sign3A_516 : i32
      %ne3A_518 = arith.cmpi ne, %sign3A_510, %sign3A_517 : i32
      %rem3A_519 = arith.remsi %add3A_501, %jit3A_502 : i32
      %ne3A_520 = arith.constant 0 : i32
      %ne3A_521 = arith.cmpi ne, %rem3A_519, %ne3A_520 : i32
      %and3A_522 = arith.andi %ne3A_518, %ne3A_521 : i1
      %sub3A_523 = arith.constant 1 : i32
      %sub3A_524 = arith.subi %div3A_503, %sub3A_523 : i32
      %select_n3A_525 = arith.select %and3A_522, %sub3A_524, %div3A_503 : i32
      %mul3A_526 = arith.constant 16 : i32
      %mul3A_527 = arith.muli %select_n3A_525, %mul3A_526 : i32
      %get3A_528 = arith.index_cast %mul3A_527 : i32 to index
      %get3A_529 = tpu.vector_load %arg8[%get3A_528] {strides = array<i32>} : memref<416xf32, #tpu.memory_space<vmem>>, vector<16xf32>,
      %get3A_530 = vector.shape_cast %get3A_529 : vector<16xf32> to vector<16xf32>
      %sub3A_531 = arith.subi %add3A_501, %mul3A_527 : i32
      %broadcast_in_dim3A_532 = vector.broadcast %sub3A_531 : i32 to vector<16xi32>
      %broadcast_in_dim3A_533 = vector.shape_cast %broadcast_in_dim3A_532 : vector<16xi32> to vector<16x1xi32>
      %gather3A_534 = vector.shape_cast %broadcast_in_dim3A_533 : vector<16x1xi32> to vector<16xi32>
      %gather3A_535 = tpu.dynamic_gather %get3A_530[%gather3A_534] in [0] : vector<16xf32>, vector<16xi32> -> vector<16xf32>
      %mul3A_536 = arith.constant 28672 : i32
      %mul3A_537 = arith.muli %rem3A_343, %mul3A_536 : i32
      %add3A_538 = arith.constant 12288 : i32
      %add3A_539 = arith.addi %mul3A_537, %add3A_538 : i32
      %parallel_loop3A_540 = arith.constant 0 : i32
      %parallel_loop3A_541 = arith.constant 4096 : i32
      %parallel_loop3A_542 = arith.constant 16 : i32
      scf.for %parallel_loop3A_702 = %parallel_loop3A_540 to %parallel_loop3A_541 step %parallel_loop3A_542  : i32 {
        %parallel_loop3A_703 = arith.addi %add3A_539, %parallel_loop3A_702 : i32
        %parallel_loop3A_704 = arith.index_cast %parallel_loop3A_703 : i32 to index
        %parallel_loop3A_705 = tpu.vector_load %arg6[%parallel_loop3A_704] {strides = array<i32>} : memref<57344xf32, #tpu.memory_space<vmem>>, vector<16xf32>,
        %parallel_loop3A_706 = vector.shape_cast %parallel_loop3A_705 : vector<16xf32> to vector<16xf32>
        %parallel_loop3A_707 = arith.addf %parallel_loop3A_706, %gather3A_535 : vector<16xf32>
        %parallel_loop3A_708 = arith.index_cast %parallel_loop3A_703 : i32 to index
        %parallel_loop3A_709 = tpu.vector_load %arg7[%parallel_loop3A_708] {strides = array<i32>} : memref<57344xf32, #tpu.memory_space<vmem>>, vector<16xf32>,
        %parallel_loop3A_710 = vector.shape_cast %parallel_loop3A_709 : vector<16xf32> to vector<16xf32>
        %parallel_loop3A_711 = vector.shape_cast %parallel_loop3A_707 : vector<16xf32> to vector<16xf32>
        tpu.vector_store %arg7[%parallel_loop3A_708], %parallel_loop3A_711 {strides = array<i32>} : memref<57344xf32, #tpu.memory_space<vmem>>, vector<16xf32>,
      } {sc.loop_unroll_factor = 8 : i64, sc.parallel_access}
      %mul3A_543 = arith.constant 7 : i32
      %mul3A_544 = arith.muli %scan3A_341, %mul3A_543 : i32
      %add3A_545 = arith.addi %sub3A_21, %mul3A_544 : i32
      %add3A_546 = arith.constant 4 : i32
      %add3A_547 = arith.addi %add3A_545, %add3A_546 : i32
      %jit3A_548 = arith.constant 16 : i32
      %div3A_549 = arith.divsi %add3A_547, %jit3A_548 : i32
      %sign3A_550 = arith.constant 0 : i32
      %sign3A_551 = arith.cmpi sgt, %add3A_547, %sign3A_550 : i32
      %sign3A_552 = arith.extui %sign3A_551 : i1 to i32
      %sign3A_553 = arith.constant 0 : i32
      %sign3A_554 = arith.cmpi slt, %add3A_547, %sign3A_553 : i32
      %sign3A_555 = arith.extui %sign3A_554 : i1 to i32
      %sign3A_556 = arith.subi %sign3A_552, %sign3A_555 : i32
      %sign3A_557 = arith.constant 0 : i32
      %sign3A_558 = arith.cmpi sgt, %jit3A_548, %sign3A_557 : i32
      %sign3A_559 = arith.extui %sign3A_558 : i1 to i32
      %sign3A_560 = arith.constant 0 : i32
      %sign3A_561 = arith.cmpi slt, %jit3A_548, %sign3A_560 : i32
      %sign3A_562 = arith.extui %sign3A_561 : i1 to i32
      %sign3A_563 = arith.subi %sign3A_559, %sign3A_562 : i32
      %ne3A_564 = arith.cmpi ne, %sign3A_556, %sign3A_563 : i32
      %rem3A_565 = arith.remsi %add3A_547, %jit3A_548 : i32
      %ne3A_566 = arith.constant 0 : i32
      %ne3A_567 = arith.cmpi ne, %rem3A_565, %ne3A_566 : i32
      %and3A_568 = arith.andi %ne3A_564, %ne3A_567 : i1
      %sub3A_569 = arith.constant 1 : i32
      %sub3A_570 = arith.subi %div3A_549, %sub3A_569 : i32
      %select_n3A_571 = arith.select %and3A_568, %sub3A_570, %div3A_549 : i32
      %mul3A_572 = arith.constant 16 : i32
      %mul3A_573 = arith.muli %select_n3A_571, %mul3A_572 : i32
      %get3A_574 = arith.index_cast %mul3A_573 : i32 to index
      %get3A_575 = tpu.vector_load %arg8[%get3A_574] {strides = array<i32>} : memref<416xf32, #tpu.memory_space<vmem>>, vector<16xf32>,
      %get3A_576 = vector.shape_cast %get3A_575 : vector<16xf32> to vector<16xf32>
      %sub3A_577 = arith.subi %add3A_547, %mul3A_573 : i32
      %broadcast_in_dim3A_578 = vector.broadcast %sub3A_577 : i32 to vector<16xi32>
      %broadcast_in_dim3A_579 = vector.shape_cast %broadcast_in_dim3A_578 : vector<16xi32> to vector<16x1xi32>
      %gather3A_580 = vector.shape_cast %broadcast_in_dim3A_579 : vector<16x1xi32> to vector<16xi32>
      %gather3A_581 = tpu.dynamic_gather %get3A_576[%gather3A_580] in [0] : vector<16xf32>, vector<16xi32> -> vector<16xf32>
      %mul3A_582 = arith.constant 28672 : i32
      %mul3A_583 = arith.muli %rem3A_343, %mul3A_582 : i32
      %add3A_584 = arith.constant 16384 : i32
      %add3A_585 = arith.addi %mul3A_583, %add3A_584 : i32
      %parallel_loop3A_586 = arith.constant 0 : i32
      %parallel_loop3A_587 = arith.constant 4096 : i32
      %parallel_loop3A_588 = arith.constant 16 : i32
      scf.for %parallel_loop3A_702 = %parallel_loop3A_586 to %parallel_loop3A_587 step %parallel_loop3A_588  : i32 {
        %parallel_loop3A_703 = arith.addi %add3A_585, %parallel_loop3A_702 : i32
        %parallel_loop3A_704 = arith.index_cast %parallel_loop3A_703 : i32 to index
        %parallel_loop3A_705 = tpu.vector_load %arg6[%parallel_loop3A_704] {strides = array<i32>} : memref<57344xf32, #tpu.memory_space<vmem>>, vector<16xf32>,
        %parallel_loop3A_706 = vector.shape_cast %parallel_loop3A_705 : vector<16xf32> to vector<16xf32>
        %parallel_loop3A_707 = arith.addf %parallel_loop3A_706, %gather3A_581 : vector<16xf32>
        %parallel_loop3A_708 = arith.index_cast %parallel_loop3A_703 : i32 to index
        %parallel_loop3A_709 = tpu.vector_load %arg7[%parallel_loop3A_708] {strides = array<i32>} : memref<57344xf32, #tpu.memory_space<vmem>>, vector<16xf32>,
        %parallel_loop3A_710 = vector.shape_cast %parallel_loop3A_709 : vector<16xf32> to vector<16xf32>
        %parallel_loop3A_711 = vector.shape_cast %parallel_loop3A_707 : vector<16xf32> to vector<16xf32>
        tpu.vector_store %arg7[%parallel_loop3A_708], %parallel_loop3A_711 {strides = array<i32>} : memref<57344xf32, #tpu.memory_space<vmem>>, vector<16xf32>,
      } {sc.loop_unroll_factor = 8 : i64, sc.parallel_access}
      %mul3A_589 = arith.constant 7 : i32
      %mul3A_590 = arith.muli %scan3A_341, %mul3A_589 : i32
      %add3A_591 = arith.addi %sub3A_21, %mul3A_590 : i32
      %add3A_592 = arith.constant 5 : i32
      %add3A_593 = arith.addi %add3A_591, %add3A_592 : i32
      %jit3A_594 = arith.constant 16 : i32
      %div3A_595 = arith.divsi %add3A_593, %jit3A_594 : i32
      %sign3A_596 = arith.constant 0 : i32
      %sign3A_597 = arith.cmpi sgt, %add3A_593, %sign3A_596 : i32
      %sign3A_598 = arith.extui %sign3A_597 : i1 to i32
      %sign3A_599 = arith.constant 0 : i32
      %sign3A_600 = arith.cmpi slt, %add3A_593, %sign3A_599 : i32
      %sign3A_601 = arith.extui %sign3A_600 : i1 to i32
      %sign3A_602 = arith.subi %sign3A_598, %sign3A_601 : i32
      %sign3A_603 = arith.constant 0 : i32
      %sign3A_604 = arith.cmpi sgt, %jit3A_594, %sign3A_603 : i32
      %sign3A_605 = arith.extui %sign3A_604 : i1 to i32
      %sign3A_606 = arith.constant 0 : i32
      %sign3A_607 = arith.cmpi slt, %jit3A_594, %sign3A_606 : i32
      %sign3A_608 = arith.extui %sign3A_607 : i1 to i32
      %sign3A_609 = arith.subi %sign3A_605, %sign3A_608 : i32
      %ne3A_610 = arith.cmpi ne, %sign3A_602, %sign3A_609 : i32
      %rem3A_611 = arith.remsi %add3A_593, %jit3A_594 : i32
      %ne3A_612 = arith.constant 0 : i32
      %ne3A_613 = arith.cmpi ne, %rem3A_611, %ne3A_612 : i32
      %and3A_614 = arith.andi %ne3A_610, %ne3A_613 : i1
      %sub3A_615 = arith.constant 1 : i32
      %sub3A_616 = arith.subi %div3A_595, %sub3A_615 : i32
      %select_n3A_617 = arith.select %and3A_614, %sub3A_616, %div3A_595 : i32
      %mul3A_618 = arith.constant 16 : i32
      %mul3A_619 = arith.muli %select_n3A_617, %mul3A_618 : i32
      %get3A_620 = arith.index_cast %mul3A_619 : i32 to index
      %get3A_621 = tpu.vector_load %arg8[%get3A_620] {strides = array<i32>} : memref<416xf32, #tpu.memory_space<vmem>>, vector<16xf32>,
      %get3A_622 = vector.shape_cast %get3A_621 : vector<16xf32> to vector<16xf32>
      %sub3A_623 = arith.subi %add3A_593, %mul3A_619 : i32
      %broadcast_in_dim3A_624 = vector.broadcast %sub3A_623 : i32 to vector<16xi32>
      %broadcast_in_dim3A_625 = vector.shape_cast %broadcast_in_dim3A_624 : vector<16xi32> to vector<16x1xi32>
      %gather3A_626 = vector.shape_cast %broadcast_in_dim3A_625 : vector<16x1xi32> to vector<16xi32>
      %gather3A_627 = tpu.dynamic_gather %get3A_622[%gather3A_626] in [0] : vector<16xf32>, vector<16xi32> -> vector<16xf32>
      %mul3A_628 = arith.constant 28672 : i32
      %mul3A_629 = arith.muli %rem3A_343, %mul3A_628 : i32
      %add3A_630 = arith.constant 20480 : i32
      %add3A_631 = arith.addi %mul3A_629, %add3A_630 : i32
      %parallel_loop3A_632 = arith.constant 0 : i32
      %parallel_loop3A_633 = arith.constant 4096 : i32
      %parallel_loop3A_634 = arith.constant 16 : i32
      scf.for %parallel_loop3A_702 = %parallel_loop3A_632 to %parallel_loop3A_633 step %parallel_loop3A_634  : i32 {
        %parallel_loop3A_703 = arith.addi %add3A_631, %parallel_loop3A_702 : i32
        %parallel_loop3A_704 = arith.index_cast %parallel_loop3A_703 : i32 to index
        %parallel_loop3A_705 = tpu.vector_load %arg6[%parallel_loop3A_704] {strides = array<i32>} : memref<57344xf32, #tpu.memory_space<vmem>>, vector<16xf32>,
        %parallel_loop3A_706 = vector.shape_cast %parallel_loop3A_705 : vector<16xf32> to vector<16xf32>
        %parallel_loop3A_707 = arith.addf %parallel_loop3A_706, %gather3A_627 : vector<16xf32>
        %parallel_loop3A_708 = arith.index_cast %parallel_loop3A_703 : i32 to index
        %parallel_loop3A_709 = tpu.vector_load %arg7[%parallel_loop3A_708] {strides = array<i32>} : memref<57344xf32, #tpu.memory_space<vmem>>, vector<16xf32>,
        %parallel_loop3A_710 = vector.shape_cast %parallel_loop3A_709 : vector<16xf32> to vector<16xf32>
        %parallel_loop3A_711 = vector.shape_cast %parallel_loop3A_707 : vector<16xf32> to vector<16xf32>
        tpu.vector_store %arg7[%parallel_loop3A_708], %parallel_loop3A_711 {strides = array<i32>} : memref<57344xf32, #tpu.memory_space<vmem>>, vector<16xf32>,
      } {sc.loop_unroll_factor = 8 : i64, sc.parallel_access}
      %mul3A_635 = arith.constant 7 : i32
      %mul3A_636 = arith.muli %scan3A_341, %mul3A_635 : i32
      %add3A_637 = arith.addi %sub3A_21, %mul3A_636 : i32
      %add3A_638 = arith.constant 6 : i32
      %add3A_639 = arith.addi %add3A_637, %add3A_638 : i32
      %jit3A_640 = arith.constant 16 : i32
      %div3A_641 = arith.divsi %add3A_639, %jit3A_640 : i32
      %sign3A_642 = arith.constant 0 : i32
      %sign3A_643 = arith.cmpi sgt, %add3A_639, %sign3A_642 : i32
      %sign3A_644 = arith.extui %sign3A_643 : i1 to i32
      %sign3A_645 = arith.constant 0 : i32
      %sign3A_646 = arith.cmpi slt, %add3A_639, %sign3A_645 : i32
      %sign3A_647 = arith.extui %sign3A_646 : i1 to i32
      %sign3A_648 = arith.subi %sign3A_644, %sign3A_647 : i32
      %sign3A_649 = arith.constant 0 : i32
      %sign3A_650 = arith.cmpi sgt, %jit3A_640, %sign3A_649 : i32
      %sign3A_651 = arith.extui %sign3A_650 : i1 to i32
      %sign3A_652 = arith.constant 0 : i32
      %sign3A_653 = arith.cmpi slt, %jit3A_640, %sign3A_652 : i32
      %sign3A_654 = arith.extui %sign3A_653 : i1 to i32
      %sign3A_655 = arith.subi %sign3A_651, %sign3A_654 : i32
      %ne3A_656 = arith.cmpi ne, %sign3A_648, %sign3A_655 : i32
      %rem3A_657 = arith.remsi %add3A_639, %jit3A_640 : i32
      %ne3A_658 = arith.constant 0 : i32
      %ne3A_659 = arith.cmpi ne, %rem3A_657, %ne3A_658 : i32
      %and3A_660 = arith.andi %ne3A_656, %ne3A_659 : i1
      %sub3A_661 = arith.constant 1 : i32
      %sub3A_662 = arith.subi %div3A_641, %sub3A_661 : i32
      %select_n3A_663 = arith.select %and3A_660, %sub3A_662, %div3A_641 : i32
      %mul3A_664 = arith.constant 16 : i32
      %mul3A_665 = arith.muli %select_n3A_663, %mul3A_664 : i32
      %get3A_666 = arith.index_cast %mul3A_665 : i32 to index
      %get3A_667 = tpu.vector_load %arg8[%get3A_666] {strides = array<i32>} : memref<416xf32, #tpu.memory_space<vmem>>, vector<16xf32>,
      %get3A_668 = vector.shape_cast %get3A_667 : vector<16xf32> to vector<16xf32>
      %sub3A_669 = arith.subi %add3A_639, %mul3A_665 : i32
      %broadcast_in_dim3A_670 = vector.broadcast %sub3A_669 : i32 to vector<16xi32>
      %broadcast_in_dim3A_671 = vector.shape_cast %broadcast_in_dim3A_670 : vector<16xi32> to vector<16x1xi32>
      %gather3A_672 = vector.shape_cast %broadcast_in_dim3A_671 : vector<16x1xi32> to vector<16xi32>
      %gather3A_673 = tpu.dynamic_gather %get3A_668[%gather3A_672] in [0] : vector<16xf32>, vector<16xi32> -> vector<16xf32>
      %mul3A_674 = arith.constant 28672 : i32
      %mul3A_675 = arith.muli %rem3A_343, %mul3A_674 : i32
      %add3A_676 = arith.constant 24576 : i32
      %add3A_677 = arith.addi %mul3A_675, %add3A_676 : i32
      %parallel_loop3A_678 = arith.constant 0 : i32
      %parallel_loop3A_679 = arith.constant 4096 : i32
      %parallel_loop3A_680 = arith.constant 16 : i32
      scf.for %parallel_loop3A_702 = %parallel_loop3A_678 to %parallel_loop3A_679 step %parallel_loop3A_680  : i32 {
        %parallel_loop3A_703 = arith.addi %add3A_677, %parallel_loop3A_702 : i32
        %parallel_loop3A_704 = arith.index_cast %parallel_loop3A_703 : i32 to index
        %parallel_loop3A_705 = tpu.vector_load %arg6[%parallel_loop3A_704] {strides = array<i32>} : memref<57344xf32, #tpu.memory_space<vmem>>, vector<16xf32>,
        %parallel_loop3A_706 = vector.shape_cast %parallel_loop3A_705 : vector<16xf32> to vector<16xf32>
        %parallel_loop3A_707 = arith.addf %parallel_loop3A_706, %gather3A_673 : vector<16xf32>
        %parallel_loop3A_708 = arith.index_cast %parallel_loop3A_703 : i32 to index
        %parallel_loop3A_709 = tpu.vector_load %arg7[%parallel_loop3A_708] {strides = array<i32>} : memref<57344xf32, #tpu.memory_space<vmem>>, vector<16xf32>,
        %parallel_loop3A_710 = vector.shape_cast %parallel_loop3A_709 : vector<16xf32> to vector<16xf32>
        %parallel_loop3A_711 = vector.shape_cast %parallel_loop3A_707 : vector<16xf32> to vector<16xf32>
        tpu.vector_store %arg7[%parallel_loop3A_708], %parallel_loop3A_711 {strides = array<i32>} : memref<57344xf32, #tpu.memory_space<vmem>>, vector<16xf32>,
      } {sc.loop_unroll_factor = 8 : i64, sc.parallel_access}
      %mul3A_681 = arith.constant 7 : i32
      %mul3A_682 = arith.muli %scan3A_341, %mul3A_681 : i32
      %add3A_683 = arith.addi %mul3A_2, %mul3A_682 : i32
      %add3A_684 = arith.constant 64 : i32
      %add3A_685 = arith.addi %add3A_683, %add3A_684 : i32
      %mul3A_686 = arith.constant 4096 : i32
      %mul3A_687 = arith.muli %add3A_685, %mul3A_686 : i32
      %mul3A_688 = arith.constant 28672 : i32
      %mul3A_689 = arith.muli %rem3A_343, %mul3A_688 : i32
      %dma_start3A_690 = tpu.memref_slice %arg7[%mul3A_689] : memref<57344xf32, #tpu.memory_space<vmem>> -> memref<28672xf32, #tpu.memory_space<vmem>>
      %dma_start3A_691 = tpu.memref_slice %arg5[%mul3A_687] : memref<52428800xf32, #tpu.memory_space<hbm>> -> memref<28672xf32, #tpu.memory_space<hbm>>
      %dma_start3A_692 = tpu.memref_slice %arg11[%rem3A_343] : memref<2x!tpu.dma_semaphore, #tpu.memory_space<semaphore_mem>> -> memref<1x!tpu.dma_semaphore, #tpu.memory_space<semaphore_mem>>
      %dma_start3A_693 = tpu.memref_squeeze %dma_start3A_692 : memref<1x!tpu.dma_semaphore, #tpu.memory_space<semaphore_mem>> -> memref<!tpu.dma_semaphore, #tpu.memory_space<semaphore_mem>>
      %dma_start3A_694 = tpu.memref_slice %arg5[%mul3A_687] : memref<52428800xf32, #tpu.memory_space<hbm>> -> memref<28672xf32, #tpu.memory_space<hbm>>
      %dma_start3A_695 = tpu.memref_slice %arg7[%mul3A_689] : memref<57344xf32, #tpu.memory_space<vmem>> -> memref<28672xf32, #tpu.memory_space<vmem>>
      tpu.enqueue_dma source(%dma_start3A_695 : memref<28672xf32, #tpu.memory_space<vmem>>) target(%dma_start3A_694 : memref<28672xf32, #tpu.memory_space<hbm>>) target_semaphore(%dma_start3A_693 : memref<!tpu.dma_semaphore, #tpu.memory_space<semaphore_mem>>)
      %add3A_696 = arith.constant 2 : i32
      %add3A_697 = arith.addi %scan3A_341, %add3A_696 : i32
      %lt3A = arith.constant 56 : i32
      %lt3A_698 = arith.cmpi slt, %add3A_697, %lt3A : i32
      %convert_element_type3A_699 = arith.extui %lt3A_698 : i1 to i32
      %cond3A_700 = arith.constant 0 : i32
      %cond3A_701 = arith.cmpi ne, %convert_element_type3A_699, %cond3A_700 : i32
      scf.if %cond3A_701 {
        %add3A_702 = arith.constant 2 : i32
        %add3A_703 = arith.addi %scan3A_341, %add3A_702 : i32
        %mul3A_704 = arith.constant 7 : i32
        %mul3A_705 = arith.muli %add3A_703, %mul3A_704 : i32
        %add3A_706 = arith.addi %mul3A_2, %mul3A_705 : i32
        %mul3A_707 = arith.constant 4096 : i32
        %mul3A_708 = arith.muli %add3A_706, %mul3A_707 : i32
        %mul3A_709 = arith.constant 28672 : i32
        %mul3A_710 = arith.muli %rem3A_343, %mul3A_709 : i32
        %dma_start3A_711 = tpu.memref_slice %arg6[%mul3A_710] : memref<57344xf32, #tpu.memory_space<vmem>> -> memref<28672xf32, #tpu.memory_space<vmem>>
        %dma_start3A_712 = tpu.memref_slice %arg2[%mul3A_708] : memref<52166656xf32, #tpu.memory_space<hbm>> -> memref<28672xf32, #tpu.memory_space<hbm>>
        %dma_start3A_713 = tpu.memref_slice %arg10[%rem3A_343] : memref<2x!tpu.dma_semaphore, #tpu.memory_space<semaphore_mem>> -> memref<1x!tpu.dma_semaphore, #tpu.memory_space<semaphore_mem>>
        %dma_start3A_714 = tpu.memref_squeeze %dma_start3A_713 : memref<1x!tpu.dma_semaphore, #tpu.memory_space<semaphore_mem>> -> memref<!tpu.dma_semaphore, #tpu.memory_space<semaphore_mem>>
        %dma_start3A_715 = tpu.memref_slice %arg6[%mul3A_710] : memref<57344xf32, #tpu.memory_space<vmem>> -> memref<28672xf32, #tpu.memory_space<vmem>>
        %dma_start3A_716 = tpu.memref_slice %arg2[%mul3A_708] : memref<52166656xf32, #tpu.memory_space<hbm>> -> memref<28672xf32, #tpu.memory_space<hbm>>
        tpu.enqueue_dma source(%dma_start3A_716 : memref<28672xf32, #tpu.memory_space<hbm>>) target(%dma_start3A_715 : memref<28672xf32, #tpu.memory_space<vmem>>) target_semaphore(%dma_start3A_714 : memref<!tpu.dma_semaphore, #tpu.memory_space<semaphore_mem>>)
      } else {
      }
    }
    %scan3A_59 = arith.constant 56 : i32
    %rem3A_60 = arith.constant 54 : i32
    %rem3A_61 = arith.constant 2 : i32
    %rem3A_62 = arith.remsi %rem3A_60, %rem3A_61 : i32
    %add3A_63 = arith.constant 378 : i32
    %add3A_64 = arith.addi %mul3A_2, %add3A_63 : i32
    %add3A_65 = arith.constant 64 : i32
    %add3A_66 = arith.addi %add3A_64, %add3A_65 : i32
    %mul3A_67 = arith.constant 4096 : i32
    %mul3A_68 = arith.muli %add3A_66, %mul3A_67 : i32
    %mul3A_69 = arith.constant 28672 : i32
    %mul3A_70 = arith.muli %rem3A_62, %mul3A_69 : i32
    %dma_wait3A = tpu.memref_slice %arg7[%mul3A_70] : memref<57344xf32, #tpu.memory_space<vmem>> -> memref<28672xf32, #tpu.memory_space<vmem>>
    %dma_wait3A_71 = tpu.memref_slice %arg5[%mul3A_68] : memref<52428800xf32, #tpu.memory_space<hbm>> -> memref<28672xf32, #tpu.memory_space<hbm>>
    %dma_wait3A_72 = tpu.memref_slice %arg11[%rem3A_62] : memref<2x!tpu.dma_semaphore, #tpu.memory_space<semaphore_mem>> -> memref<1x!tpu.dma_semaphore, #tpu.memory_space<semaphore_mem>>
    %dma_wait3A_73 = tpu.memref_squeeze %dma_wait3A_72 : memref<1x!tpu.dma_semaphore, #tpu.memory_space<semaphore_mem>> -> memref<!tpu.dma_semaphore, #tpu.memory_space<semaphore_mem>>
    %dma_wait3A_74 = tpu.memref_slice %arg5[%mul3A_68] : memref<52428800xf32, #tpu.memory_space<hbm>> -> memref<28672xf32, #tpu.memory_space<hbm>>
    %dma_wait3A_75 = tpu.memref_slice %arg7[%mul3A_70] : memref<57344xf32, #tpu.memory_space<vmem>> -> memref<28672xf32, #tpu.memory_space<vmem>>
    tpu.wait_dma2 semaphore(%dma_wait3A_73 : memref<!tpu.dma_semaphore, #tpu.memory_space<semaphore_mem>>) src(%dma_wait3A_75 : memref<28672xf32, #tpu.memory_space<vmem>>) dst(%dma_wait3A_74 : memref<28672xf32, #tpu.memory_space<hbm>>)
    %rem3A_76 = arith.constant 55 : i32
    %rem3A_77 = arith.constant 2 : i32
    %rem3A_78 = arith.remsi %rem3A_76, %rem3A_77 : i32
    %add3A_79 = arith.constant 385 : i32
    %add3A_80 = arith.addi %mul3A_2, %add3A_79 : i32
    %add3A_81 = arith.constant 64 : i32
    %add3A_82 = arith.addi %add3A_80, %add3A_81 : i32
    %mul3A_83 = arith.constant 4096 : i32
    %mul3A_84 = arith.muli %add3A_82, %mul3A_83 : i32
    %mul3A_85 = arith.constant 28672 : i32
    %mul3A_86 = arith.muli %rem3A_78, %mul3A_85 : i32
    %dma_wait3A_87 = tpu.memref_slice %arg7[%mul3A_86] : memref<57344xf32, #tpu.memory_space<vmem>> -> memref<28672xf32, #tpu.memory_space<vmem>>
    %dma_wait3A_88 = tpu.memref_slice %arg5[%mul3A_84] : memref<52428800xf32, #tpu.memory_space<hbm>> -> memref<28672xf32, #tpu.memory_space<hbm>>
    %dma_wait3A_89 = tpu.memref_slice %arg11[%rem3A_78] : memref<2x!tpu.dma_semaphore, #tpu.memory_space<semaphore_mem>> -> memref<1x!tpu.dma_semaphore, #tpu.memory_space<semaphore_mem>>
    %dma_wait3A_90 = tpu.memref_squeeze %dma_wait3A_89 : memref<1x!tpu.dma_semaphore, #tpu.memory_space<semaphore_mem>> -> memref<!tpu.dma_semaphore, #tpu.memory_space<semaphore_mem>>
    %dma_wait3A_91 = tpu.memref_slice %arg5[%mul3A_84] : memref<52428800xf32, #tpu.memory_space<hbm>> -> memref<28672xf32, #tpu.memory_space<hbm>>
    %dma_wait3A_92 = tpu.memref_slice %arg7[%mul3A_86] : memref<57344xf32, #tpu.memory_space<vmem>> -> memref<28672xf32, #tpu.memory_space<vmem>>
    tpu.wait_dma2 semaphore(%dma_wait3A_90 : memref<!tpu.dma_semaphore, #tpu.memory_space<semaphore_mem>>) src(%dma_wait3A_92 : memref<28672xf32, #tpu.memory_space<vmem>>) dst(%dma_wait3A_91 : memref<28672xf32, #tpu.memory_space<hbm>>)
    %add3A_93 = arith.constant 392 : i32
    %add3A_94 = arith.addi %mul3A_2, %add3A_93 : i32
    %mul3A_95 = arith.constant 4096 : i32
    %mul3A_96 = arith.muli %add3A_94, %mul3A_95 : i32
    "tpu.region"() ({
      %run_scoped3A = tpu.sem_alloc : memref<!tpu.dma_semaphore, #tpu.memory_space<semaphore_mem>>
      %dma_start3A_341 = arith.constant 0 : i32
      %dma_start3A_342 = tpu.memref_slice %arg6[%dma_start3A_341] : memref<57344xf32, #tpu.memory_space<vmem>> -> memref<24576xf32, #tpu.memory_space<vmem>>
      %dma_start3A_343 = tpu.memref_slice %arg2[%mul3A_96] : memref<52166656xf32, #tpu.memory_space<hbm>> -> memref<24576xf32, #tpu.memory_space<hbm>>
      %dma_start3A_344 = arith.constant 0 : i32
      %dma_start3A_345 = tpu.memref_slice %arg6[%dma_start3A_344] : memref<57344xf32, #tpu.memory_space<vmem>> -> memref<24576xf32, #tpu.memory_space<vmem>>
      %dma_start3A_346 = tpu.memref_slice %arg2[%mul3A_96] : memref<52166656xf32, #tpu.memory_space<hbm>> -> memref<24576xf32, #tpu.memory_space<hbm>>
      tpu.enqueue_dma source(%dma_start3A_346 : memref<24576xf32, #tpu.memory_space<hbm>>) target(%dma_start3A_345 : memref<24576xf32, #tpu.memory_space<vmem>>) target_semaphore(%run_scoped3A : memref<!tpu.dma_semaphore, #tpu.memory_space<semaphore_mem>>)
      %dma_wait3A_347 = arith.constant 0 : i32
      %dma_wait3A_348 = tpu.memref_slice %arg6[%dma_wait3A_347] : memref<57344xf32, #tpu.memory_space<vmem>> -> memref<24576xf32, #tpu.memory_space<vmem>>
      %dma_wait3A_349 = tpu.memref_slice %arg2[%mul3A_96] : memref<52166656xf32, #tpu.memory_space<hbm>> -> memref<24576xf32, #tpu.memory_space<hbm>>
      %dma_wait3A_350 = arith.constant 0 : i32
      %dma_wait3A_351 = tpu.memref_slice %arg6[%dma_wait3A_350] : memref<57344xf32, #tpu.memory_space<vmem>> -> memref<24576xf32, #tpu.memory_space<vmem>>
      %dma_wait3A_352 = tpu.memref_slice %arg2[%mul3A_96] : memref<52166656xf32, #tpu.memory_space<hbm>> -> memref<24576xf32, #tpu.memory_space<hbm>>
      tpu.wait_dma2 semaphore(%run_scoped3A : memref<!tpu.dma_semaphore, #tpu.memory_space<semaphore_mem>>) src(%dma_wait3A_352 : memref<24576xf32, #tpu.memory_space<hbm>>) dst(%dma_wait3A_351 : memref<24576xf32, #tpu.memory_space<vmem>>)
      tpu.yield
    }) : () -> ()
    %add3A_97 = arith.constant 392 : i32
    %add3A_98 = arith.addi %sub3A_21, %add3A_97 : i32
    %add3A_99 = arith.constant 0 : i32
    %add3A_100 = arith.addi %add3A_98, %add3A_99 : i32
    %jit3A_101 = arith.constant 16 : i32
    %div3A_102 = arith.divsi %add3A_100, %jit3A_101 : i32
    %sign3A_103 = arith.constant 0 : i32
    %sign3A_104 = arith.cmpi sgt, %add3A_100, %sign3A_103 : i32
    %sign3A_105 = arith.extui %sign3A_104 : i1 to i32
    %sign3A_106 = arith.constant 0 : i32
    %sign3A_107 = arith.cmpi slt, %add3A_100, %sign3A_106 : i32
    %sign3A_108 = arith.extui %sign3A_107 : i1 to i32
    %sign3A_109 = arith.subi %sign3A_105, %sign3A_108 : i32
    %sign3A_110 = arith.constant 0 : i32
    %sign3A_111 = arith.cmpi sgt, %jit3A_101, %sign3A_110 : i32
    %sign3A_112 = arith.extui %sign3A_111 : i1 to i32
    %sign3A_113 = arith.constant 0 : i32
    %sign3A_114 = arith.cmpi slt, %jit3A_101, %sign3A_113 : i32
    %sign3A_115 = arith.extui %sign3A_114 : i1 to i32
    %sign3A_116 = arith.subi %sign3A_112, %sign3A_115 : i32
    %ne3A_117 = arith.cmpi ne, %sign3A_109, %sign3A_116 : i32
    %rem3A_118 = arith.remsi %add3A_100, %jit3A_101 : i32
    %ne3A_119 = arith.constant 0 : i32
    %ne3A_120 = arith.cmpi ne, %rem3A_118, %ne3A_119 : i32
    %and3A_121 = arith.andi %ne3A_117, %ne3A_120 : i1
    %sub3A_122 = arith.constant 1 : i32
    %sub3A_123 = arith.subi %div3A_102, %sub3A_122 : i32
    %select_n3A_124 = arith.select %and3A_121, %sub3A_123, %div3A_102 : i32
    %mul3A_125 = arith.constant 16 : i32
    %mul3A_126 = arith.muli %select_n3A_124, %mul3A_125 : i32
    %get3A = arith.index_cast %mul3A_126 : i32 to index
    %get3A_127 = tpu.vector_load %arg8[%get3A] {strides = array<i32>} : memref<416xf32, #tpu.memory_space<vmem>>, vector<16xf32>,
    %get3A_128 = vector.shape_cast %get3A_127 : vector<16xf32> to vector<16xf32>
    %sub3A_129 = arith.subi %add3A_100, %mul3A_126 : i32
    %broadcast_in_dim3A = vector.broadcast %sub3A_129 : i32 to vector<16xi32>
    %broadcast_in_dim3A_130 = vector.shape_cast %broadcast_in_dim3A : vector<16xi32> to vector<16x1xi32>
    %gather3A = vector.shape_cast %broadcast_in_dim3A_130 : vector<16x1xi32> to vector<16xi32>
    %gather3A_131 = tpu.dynamic_gather %get3A_128[%gather3A] in [0] : vector<16xf32>, vector<16xi32> -> vector<16xf32>
    %parallel_loop3A = arith.constant 0 : i32
    %parallel_loop3A_132 = arith.constant 4096 : i32
    %parallel_loop3A_133 = arith.constant 16 : i32
    scf.for %parallel_loop3A_341 = %parallel_loop3A to %parallel_loop3A_132 step %parallel_loop3A_133  : i32 {
      %parallel_loop3A_342 = arith.constant 0 : i32
      %parallel_loop3A_343 = arith.addi %parallel_loop3A_342, %parallel_loop3A_341 : i32
      %parallel_loop3A_344 = arith.index_cast %parallel_loop3A_343 : i32 to index
      %parallel_loop3A_345 = tpu.vector_load %arg6[%parallel_loop3A_344] {strides = array<i32>} : memref<57344xf32, #tpu.memory_space<vmem>>, vector<16xf32>,
      %parallel_loop3A_346 = vector.shape_cast %parallel_loop3A_345 : vector<16xf32> to vector<16xf32>
      %parallel_loop3A_347 = arith.addf %parallel_loop3A_346, %gather3A_131 : vector<16xf32>
      %parallel_loop3A_348 = arith.index_cast %parallel_loop3A_343 : i32 to index
      %parallel_loop3A_349 = tpu.vector_load %arg7[%parallel_loop3A_348] {strides = array<i32>} : memref<57344xf32, #tpu.memory_space<vmem>>, vector<16xf32>,
      %parallel_loop3A_350 = vector.shape_cast %parallel_loop3A_349 : vector<16xf32> to vector<16xf32>
      %parallel_loop3A_351 = vector.shape_cast %parallel_loop3A_347 : vector<16xf32> to vector<16xf32>
      tpu.vector_store %arg7[%parallel_loop3A_348], %parallel_loop3A_351 {strides = array<i32>} : memref<57344xf32, #tpu.memory_space<vmem>>, vector<16xf32>,
    } {sc.loop_unroll_factor = 8 : i64, sc.parallel_access}
    %add3A_134 = arith.constant 392 : i32
    %add3A_135 = arith.addi %sub3A_21, %add3A_134 : i32
    %add3A_136 = arith.constant 1 : i32
    %add3A_137 = arith.addi %add3A_135, %add3A_136 : i32
    %jit3A_138 = arith.constant 16 : i32
    %div3A_139 = arith.divsi %add3A_137, %jit3A_138 : i32
    %sign3A_140 = arith.constant 0 : i32
    %sign3A_141 = arith.cmpi sgt, %add3A_137, %sign3A_140 : i32
    %sign3A_142 = arith.extui %sign3A_141 : i1 to i32
    %sign3A_143 = arith.constant 0 : i32
    %sign3A_144 = arith.cmpi slt, %add3A_137, %sign3A_143 : i32
    %sign3A_145 = arith.extui %sign3A_144 : i1 to i32
    %sign3A_146 = arith.subi %sign3A_142, %sign3A_145 : i32
    %sign3A_147 = arith.constant 0 : i32
    %sign3A_148 = arith.cmpi sgt, %jit3A_138, %sign3A_147 : i32
    %sign3A_149 = arith.extui %sign3A_148 : i1 to i32
    %sign3A_150 = arith.constant 0 : i32
    %sign3A_151 = arith.cmpi slt, %jit3A_138, %sign3A_150 : i32
    %sign3A_152 = arith.extui %sign3A_151 : i1 to i32
    %sign3A_153 = arith.subi %sign3A_149, %sign3A_152 : i32
    %ne3A_154 = arith.cmpi ne, %sign3A_146, %sign3A_153 : i32
    %rem3A_155 = arith.remsi %add3A_137, %jit3A_138 : i32
    %ne3A_156 = arith.constant 0 : i32
    %ne3A_157 = arith.cmpi ne, %rem3A_155, %ne3A_156 : i32
    %and3A_158 = arith.andi %ne3A_154, %ne3A_157 : i1
    %sub3A_159 = arith.constant 1 : i32
    %sub3A_160 = arith.subi %div3A_139, %sub3A_159 : i32
    %select_n3A_161 = arith.select %and3A_158, %sub3A_160, %div3A_139 : i32
    %mul3A_162 = arith.constant 16 : i32
    %mul3A_163 = arith.muli %select_n3A_161, %mul3A_162 : i32
    %get3A_164 = arith.index_cast %mul3A_163 : i32 to index
    %get3A_165 = tpu.vector_load %arg8[%get3A_164] {strides = array<i32>} : memref<416xf32, #tpu.memory_space<vmem>>, vector<16xf32>,
    %get3A_166 = vector.shape_cast %get3A_165 : vector<16xf32> to vector<16xf32>
    %sub3A_167 = arith.subi %add3A_137, %mul3A_163 : i32
    %broadcast_in_dim3A_168 = vector.broadcast %sub3A_167 : i32 to vector<16xi32>
    %broadcast_in_dim3A_169 = vector.shape_cast %broadcast_in_dim3A_168 : vector<16xi32> to vector<16x1xi32>
    %gather3A_170 = vector.shape_cast %broadcast_in_dim3A_169 : vector<16x1xi32> to vector<16xi32>
    %gather3A_171 = tpu.dynamic_gather %get3A_166[%gather3A_170] in [0] : vector<16xf32>, vector<16xi32> -> vector<16xf32>
    %parallel_loop3A_172 = arith.constant 0 : i32
    %parallel_loop3A_173 = arith.constant 4096 : i32
    %parallel_loop3A_174 = arith.constant 16 : i32
    scf.for %parallel_loop3A_341 = %parallel_loop3A_172 to %parallel_loop3A_173 step %parallel_loop3A_174  : i32 {
      %parallel_loop3A_342 = arith.constant 4096 : i32
      %parallel_loop3A_343 = arith.addi %parallel_loop3A_342, %parallel_loop3A_341 : i32
      %parallel_loop3A_344 = arith.index_cast %parallel_loop3A_343 : i32 to index
      %parallel_loop3A_345 = tpu.vector_load %arg6[%parallel_loop3A_344] {strides = array<i32>} : memref<57344xf32, #tpu.memory_space<vmem>>, vector<16xf32>,
      %parallel_loop3A_346 = vector.shape_cast %parallel_loop3A_345 : vector<16xf32> to vector<16xf32>
      %parallel_loop3A_347 = arith.addf %parallel_loop3A_346, %gather3A_171 : vector<16xf32>
      %parallel_loop3A_348 = arith.index_cast %parallel_loop3A_343 : i32 to index
      %parallel_loop3A_349 = tpu.vector_load %arg7[%parallel_loop3A_348] {strides = array<i32>} : memref<57344xf32, #tpu.memory_space<vmem>>, vector<16xf32>,
      %parallel_loop3A_350 = vector.shape_cast %parallel_loop3A_349 : vector<16xf32> to vector<16xf32>
      %parallel_loop3A_351 = vector.shape_cast %parallel_loop3A_347 : vector<16xf32> to vector<16xf32>
      tpu.vector_store %arg7[%parallel_loop3A_348], %parallel_loop3A_351 {strides = array<i32>} : memref<57344xf32, #tpu.memory_space<vmem>>, vector<16xf32>,
    } {sc.loop_unroll_factor = 8 : i64, sc.parallel_access}
    %add3A_175 = arith.constant 392 : i32
    %add3A_176 = arith.addi %sub3A_21, %add3A_175 : i32
    %add3A_177 = arith.constant 2 : i32
    %add3A_178 = arith.addi %add3A_176, %add3A_177 : i32
    %jit3A_179 = arith.constant 16 : i32
    %div3A_180 = arith.divsi %add3A_178, %jit3A_179 : i32
    %sign3A_181 = arith.constant 0 : i32
    %sign3A_182 = arith.cmpi sgt, %add3A_178, %sign3A_181 : i32
    %sign3A_183 = arith.extui %sign3A_182 : i1 to i32
    %sign3A_184 = arith.constant 0 : i32
    %sign3A_185 = arith.cmpi slt, %add3A_178, %sign3A_184 : i32
    %sign3A_186 = arith.extui %sign3A_185 : i1 to i32
    %sign3A_187 = arith.subi %sign3A_183, %sign3A_186 : i32
    %sign3A_188 = arith.constant 0 : i32
    %sign3A_189 = arith.cmpi sgt, %jit3A_179, %sign3A_188 : i32
    %sign3A_190 = arith.extui %sign3A_189 : i1 to i32
    %sign3A_191 = arith.constant 0 : i32
    %sign3A_192 = arith.cmpi slt, %jit3A_179, %sign3A_191 : i32
    %sign3A_193 = arith.extui %sign3A_192 : i1 to i32
    %sign3A_194 = arith.subi %sign3A_190, %sign3A_193 : i32
    %ne3A_195 = arith.cmpi ne, %sign3A_187, %sign3A_194 : i32
    %rem3A_196 = arith.remsi %add3A_178, %jit3A_179 : i32
    %ne3A_197 = arith.constant 0 : i32
    %ne3A_198 = arith.cmpi ne, %rem3A_196, %ne3A_197 : i32
    %and3A_199 = arith.andi %ne3A_195, %ne3A_198 : i1
    %sub3A_200 = arith.constant 1 : i32
    %sub3A_201 = arith.subi %div3A_180, %sub3A_200 : i32
    %select_n3A_202 = arith.select %and3A_199, %sub3A_201, %div3A_180 : i32
    %mul3A_203 = arith.constant 16 : i32
    %mul3A_204 = arith.muli %select_n3A_202, %mul3A_203 : i32
    %get3A_205 = arith.index_cast %mul3A_204 : i32 to index
    %get3A_206 = tpu.vector_load %arg8[%get3A_205] {strides = array<i32>} : memref<416xf32, #tpu.memory_space<vmem>>, vector<16xf32>,
    %get3A_207 = vector.shape_cast %get3A_206 : vector<16xf32> to vector<16xf32>
    %sub3A_208 = arith.subi %add3A_178, %mul3A_204 : i32
    %broadcast_in_dim3A_209 = vector.broadcast %sub3A_208 : i32 to vector<16xi32>
    %broadcast_in_dim3A_210 = vector.shape_cast %broadcast_in_dim3A_209 : vector<16xi32> to vector<16x1xi32>
    %gather3A_211 = vector.shape_cast %broadcast_in_dim3A_210 : vector<16x1xi32> to vector<16xi32>
    %gather3A_212 = tpu.dynamic_gather %get3A_207[%gather3A_211] in [0] : vector<16xf32>, vector<16xi32> -> vector<16xf32>
    %parallel_loop3A_213 = arith.constant 0 : i32
    %parallel_loop3A_214 = arith.constant 4096 : i32
    %parallel_loop3A_215 = arith.constant 16 : i32
    scf.for %parallel_loop3A_341 = %parallel_loop3A_213 to %parallel_loop3A_214 step %parallel_loop3A_215  : i32 {
      %parallel_loop3A_342 = arith.constant 8192 : i32
      %parallel_loop3A_343 = arith.addi %parallel_loop3A_342, %parallel_loop3A_341 : i32
      %parallel_loop3A_344 = arith.index_cast %parallel_loop3A_343 : i32 to index
      %parallel_loop3A_345 = tpu.vector_load %arg6[%parallel_loop3A_344] {strides = array<i32>} : memref<57344xf32, #tpu.memory_space<vmem>>, vector<16xf32>,
      %parallel_loop3A_346 = vector.shape_cast %parallel_loop3A_345 : vector<16xf32> to vector<16xf32>
      %parallel_loop3A_347 = arith.addf %parallel_loop3A_346, %gather3A_212 : vector<16xf32>
      %parallel_loop3A_348 = arith.index_cast %parallel_loop3A_343 : i32 to index
      %parallel_loop3A_349 = tpu.vector_load %arg7[%parallel_loop3A_348] {strides = array<i32>} : memref<57344xf32, #tpu.memory_space<vmem>>, vector<16xf32>,
      %parallel_loop3A_350 = vector.shape_cast %parallel_loop3A_349 : vector<16xf32> to vector<16xf32>
      %parallel_loop3A_351 = vector.shape_cast %parallel_loop3A_347 : vector<16xf32> to vector<16xf32>
      tpu.vector_store %arg7[%parallel_loop3A_348], %parallel_loop3A_351 {strides = array<i32>} : memref<57344xf32, #tpu.memory_space<vmem>>, vector<16xf32>,
    } {sc.loop_unroll_factor = 8 : i64, sc.parallel_access}
    %add3A_216 = arith.constant 392 : i32
    %add3A_217 = arith.addi %sub3A_21, %add3A_216 : i32
    %add3A_218 = arith.constant 3 : i32
    %add3A_219 = arith.addi %add3A_217, %add3A_218 : i32
    %jit3A_220 = arith.constant 16 : i32
    %div3A_221 = arith.divsi %add3A_219, %jit3A_220 : i32
    %sign3A_222 = arith.constant 0 : i32
    %sign3A_223 = arith.cmpi sgt, %add3A_219, %sign3A_222 : i32
    %sign3A_224 = arith.extui %sign3A_223 : i1 to i32
    %sign3A_225 = arith.constant 0 : i32
    %sign3A_226 = arith.cmpi slt, %add3A_219, %sign3A_225 : i32
    %sign3A_227 = arith.extui %sign3A_226 : i1 to i32
    %sign3A_228 = arith.subi %sign3A_224, %sign3A_227 : i32
    %sign3A_229 = arith.constant 0 : i32
    %sign3A_230 = arith.cmpi sgt, %jit3A_220, %sign3A_229 : i32
    %sign3A_231 = arith.extui %sign3A_230 : i1 to i32
    %sign3A_232 = arith.constant 0 : i32
    %sign3A_233 = arith.cmpi slt, %jit3A_220, %sign3A_232 : i32
    %sign3A_234 = arith.extui %sign3A_233 : i1 to i32
    %sign3A_235 = arith.subi %sign3A_231, %sign3A_234 : i32
    %ne3A_236 = arith.cmpi ne, %sign3A_228, %sign3A_235 : i32
    %rem3A_237 = arith.remsi %add3A_219, %jit3A_220 : i32
    %ne3A_238 = arith.constant 0 : i32
    %ne3A_239 = arith.cmpi ne, %rem3A_237, %ne3A_238 : i32
    %and3A_240 = arith.andi %ne3A_236, %ne3A_239 : i1
    %sub3A_241 = arith.constant 1 : i32
    %sub3A_242 = arith.subi %div3A_221, %sub3A_241 : i32
    %select_n3A_243 = arith.select %and3A_240, %sub3A_242, %div3A_221 : i32
    %mul3A_244 = arith.constant 16 : i32
    %mul3A_245 = arith.muli %select_n3A_243, %mul3A_244 : i32
    %get3A_246 = arith.index_cast %mul3A_245 : i32 to index
    %get3A_247 = tpu.vector_load %arg8[%get3A_246] {strides = array<i32>} : memref<416xf32, #tpu.memory_space<vmem>>, vector<16xf32>,
    %get3A_248 = vector.shape_cast %get3A_247 : vector<16xf32> to vector<16xf32>
    %sub3A_249 = arith.subi %add3A_219, %mul3A_245 : i32
    %broadcast_in_dim3A_250 = vector.broadcast %sub3A_249 : i32 to vector<16xi32>
    %broadcast_in_dim3A_251 = vector.shape_cast %broadcast_in_dim3A_250 : vector<16xi32> to vector<16x1xi32>
    %gather3A_252 = vector.shape_cast %broadcast_in_dim3A_251 : vector<16x1xi32> to vector<16xi32>
    %gather3A_253 = tpu.dynamic_gather %get3A_248[%gather3A_252] in [0] : vector<16xf32>, vector<16xi32> -> vector<16xf32>
    %parallel_loop3A_254 = arith.constant 0 : i32
    %parallel_loop3A_255 = arith.constant 4096 : i32
    %parallel_loop3A_256 = arith.constant 16 : i32
    scf.for %parallel_loop3A_341 = %parallel_loop3A_254 to %parallel_loop3A_255 step %parallel_loop3A_256  : i32 {
      %parallel_loop3A_342 = arith.constant 12288 : i32
      %parallel_loop3A_343 = arith.addi %parallel_loop3A_342, %parallel_loop3A_341 : i32
      %parallel_loop3A_344 = arith.index_cast %parallel_loop3A_343 : i32 to index
      %parallel_loop3A_345 = tpu.vector_load %arg6[%parallel_loop3A_344] {strides = array<i32>} : memref<57344xf32, #tpu.memory_space<vmem>>, vector<16xf32>,
      %parallel_loop3A_346 = vector.shape_cast %parallel_loop3A_345 : vector<16xf32> to vector<16xf32>
      %parallel_loop3A_347 = arith.addf %parallel_loop3A_346, %gather3A_253 : vector<16xf32>
      %parallel_loop3A_348 = arith.index_cast %parallel_loop3A_343 : i32 to index
      %parallel_loop3A_349 = tpu.vector_load %arg7[%parallel_loop3A_348] {strides = array<i32>} : memref<57344xf32, #tpu.memory_space<vmem>>, vector<16xf32>,
      %parallel_loop3A_350 = vector.shape_cast %parallel_loop3A_349 : vector<16xf32> to vector<16xf32>
      %parallel_loop3A_351 = vector.shape_cast %parallel_loop3A_347 : vector<16xf32> to vector<16xf32>
      tpu.vector_store %arg7[%parallel_loop3A_348], %parallel_loop3A_351 {strides = array<i32>} : memref<57344xf32, #tpu.memory_space<vmem>>, vector<16xf32>,
    } {sc.loop_unroll_factor = 8 : i64, sc.parallel_access}
    %add3A_257 = arith.constant 392 : i32
    %add3A_258 = arith.addi %sub3A_21, %add3A_257 : i32
    %add3A_259 = arith.constant 4 : i32
    %add3A_260 = arith.addi %add3A_258, %add3A_259 : i32
    %jit3A_261 = arith.constant 16 : i32
    %div3A_262 = arith.divsi %add3A_260, %jit3A_261 : i32
    %sign3A_263 = arith.constant 0 : i32
    %sign3A_264 = arith.cmpi sgt, %add3A_260, %sign3A_263 : i32
    %sign3A_265 = arith.extui %sign3A_264 : i1 to i32
    %sign3A_266 = arith.constant 0 : i32
    %sign3A_267 = arith.cmpi slt, %add3A_260, %sign3A_266 : i32
    %sign3A_268 = arith.extui %sign3A_267 : i1 to i32
    %sign3A_269 = arith.subi %sign3A_265, %sign3A_268 : i32
    %sign3A_270 = arith.constant 0 : i32
    %sign3A_271 = arith.cmpi sgt, %jit3A_261, %sign3A_270 : i32
    %sign3A_272 = arith.extui %sign3A_271 : i1 to i32
    %sign3A_273 = arith.constant 0 : i32
    %sign3A_274 = arith.cmpi slt, %jit3A_261, %sign3A_273 : i32
    %sign3A_275 = arith.extui %sign3A_274 : i1 to i32
    %sign3A_276 = arith.subi %sign3A_272, %sign3A_275 : i32
    %ne3A_277 = arith.cmpi ne, %sign3A_269, %sign3A_276 : i32
    %rem3A_278 = arith.remsi %add3A_260, %jit3A_261 : i32
    %ne3A_279 = arith.constant 0 : i32
    %ne3A_280 = arith.cmpi ne, %rem3A_278, %ne3A_279 : i32
    %and3A_281 = arith.andi %ne3A_277, %ne3A_280 : i1
    %sub3A_282 = arith.constant 1 : i32
    %sub3A_283 = arith.subi %div3A_262, %sub3A_282 : i32
    %select_n3A_284 = arith.select %and3A_281, %sub3A_283, %div3A_262 : i32
    %mul3A_285 = arith.constant 16 : i32
    %mul3A_286 = arith.muli %select_n3A_284, %mul3A_285 : i32
    %get3A_287 = arith.index_cast %mul3A_286 : i32 to index
    %get3A_288 = tpu.vector_load %arg8[%get3A_287] {strides = array<i32>} : memref<416xf32, #tpu.memory_space<vmem>>, vector<16xf32>,
    %get3A_289 = vector.shape_cast %get3A_288 : vector<16xf32> to vector<16xf32>
    %sub3A_290 = arith.subi %add3A_260, %mul3A_286 : i32
    %broadcast_in_dim3A_291 = vector.broadcast %sub3A_290 : i32 to vector<16xi32>
    %broadcast_in_dim3A_292 = vector.shape_cast %broadcast_in_dim3A_291 : vector<16xi32> to vector<16x1xi32>
    %gather3A_293 = vector.shape_cast %broadcast_in_dim3A_292 : vector<16x1xi32> to vector<16xi32>
    %gather3A_294 = tpu.dynamic_gather %get3A_289[%gather3A_293] in [0] : vector<16xf32>, vector<16xi32> -> vector<16xf32>
    %parallel_loop3A_295 = arith.constant 0 : i32
    %parallel_loop3A_296 = arith.constant 4096 : i32
    %parallel_loop3A_297 = arith.constant 16 : i32
    scf.for %parallel_loop3A_341 = %parallel_loop3A_295 to %parallel_loop3A_296 step %parallel_loop3A_297  : i32 {
      %parallel_loop3A_342 = arith.constant 16384 : i32
      %parallel_loop3A_343 = arith.addi %parallel_loop3A_342, %parallel_loop3A_341 : i32
      %parallel_loop3A_344 = arith.index_cast %parallel_loop3A_343 : i32 to index
      %parallel_loop3A_345 = tpu.vector_load %arg6[%parallel_loop3A_344] {strides = array<i32>} : memref<57344xf32, #tpu.memory_space<vmem>>, vector<16xf32>,
      %parallel_loop3A_346 = vector.shape_cast %parallel_loop3A_345 : vector<16xf32> to vector<16xf32>
      %parallel_loop3A_347 = arith.addf %parallel_loop3A_346, %gather3A_294 : vector<16xf32>
      %parallel_loop3A_348 = arith.index_cast %parallel_loop3A_343 : i32 to index
      %parallel_loop3A_349 = tpu.vector_load %arg7[%parallel_loop3A_348] {strides = array<i32>} : memref<57344xf32, #tpu.memory_space<vmem>>, vector<16xf32>,
      %parallel_loop3A_350 = vector.shape_cast %parallel_loop3A_349 : vector<16xf32> to vector<16xf32>
      %parallel_loop3A_351 = vector.shape_cast %parallel_loop3A_347 : vector<16xf32> to vector<16xf32>
      tpu.vector_store %arg7[%parallel_loop3A_348], %parallel_loop3A_351 {strides = array<i32>} : memref<57344xf32, #tpu.memory_space<vmem>>, vector<16xf32>,
    } {sc.loop_unroll_factor = 8 : i64, sc.parallel_access}
    %add3A_298 = arith.constant 392 : i32
    %add3A_299 = arith.addi %sub3A_21, %add3A_298 : i32
    %add3A_300 = arith.constant 5 : i32
    %add3A_301 = arith.addi %add3A_299, %add3A_300 : i32
    %jit3A_302 = arith.constant 16 : i32
    %div3A_303 = arith.divsi %add3A_301, %jit3A_302 : i32
    %sign3A_304 = arith.constant 0 : i32
    %sign3A_305 = arith.cmpi sgt, %add3A_301, %sign3A_304 : i32
    %sign3A_306 = arith.extui %sign3A_305 : i1 to i32
    %sign3A_307 = arith.constant 0 : i32
    %sign3A_308 = arith.cmpi slt, %add3A_301, %sign3A_307 : i32
    %sign3A_309 = arith.extui %sign3A_308 : i1 to i32
    %sign3A_310 = arith.subi %sign3A_306, %sign3A_309 : i32
    %sign3A_311 = arith.constant 0 : i32
    %sign3A_312 = arith.cmpi sgt, %jit3A_302, %sign3A_311 : i32
    %sign3A_313 = arith.extui %sign3A_312 : i1 to i32
    %sign3A_314 = arith.constant 0 : i32
    %sign3A_315 = arith.cmpi slt, %jit3A_302, %sign3A_314 : i32
    %sign3A_316 = arith.extui %sign3A_315 : i1 to i32
    %sign3A_317 = arith.subi %sign3A_313, %sign3A_316 : i32
    %ne3A_318 = arith.cmpi ne, %sign3A_310, %sign3A_317 : i32
    %rem3A_319 = arith.remsi %add3A_301, %jit3A_302 : i32
    %ne3A_320 = arith.constant 0 : i32
    %ne3A_321 = arith.cmpi ne, %rem3A_319, %ne3A_320 : i32
    %and3A_322 = arith.andi %ne3A_318, %ne3A_321 : i1
    %sub3A_323 = arith.constant 1 : i32
    %sub3A_324 = arith.subi %div3A_303, %sub3A_323 : i32
    %select_n3A_325 = arith.select %and3A_322, %sub3A_324, %div3A_303 : i32
    %mul3A_326 = arith.constant 16 : i32
    %mul3A_327 = arith.muli %select_n3A_325, %mul3A_326 : i32
    %get3A_328 = arith.index_cast %mul3A_327 : i32 to index
    %get3A_329 = tpu.vector_load %arg8[%get3A_328] {strides = array<i32>} : memref<416xf32, #tpu.memory_space<vmem>>, vector<16xf32>,
    %get3A_330 = vector.shape_cast %get3A_329 : vector<16xf32> to vector<16xf32>
    %sub3A_331 = arith.subi %add3A_301, %mul3A_327 : i32
    %broadcast_in_dim3A_332 = vector.broadcast %sub3A_331 : i32 to vector<16xi32>
    %broadcast_in_dim3A_333 = vector.shape_cast %broadcast_in_dim3A_332 : vector<16xi32> to vector<16x1xi32>
    %gather3A_334 = vector.shape_cast %broadcast_in_dim3A_333 : vector<16x1xi32> to vector<16xi32>
    %gather3A_335 = tpu.dynamic_gather %get3A_330[%gather3A_334] in [0] : vector<16xf32>, vector<16xi32> -> vector<16xf32>
    %parallel_loop3A_336 = arith.constant 0 : i32
    %parallel_loop3A_337 = arith.constant 4096 : i32
    %parallel_loop3A_338 = arith.constant 16 : i32
    scf.for %parallel_loop3A_341 = %parallel_loop3A_336 to %parallel_loop3A_337 step %parallel_loop3A_338  : i32 {
      %parallel_loop3A_342 = arith.constant 20480 : i32
      %parallel_loop3A_343 = arith.addi %parallel_loop3A_342, %parallel_loop3A_341 : i32
      %parallel_loop3A_344 = arith.index_cast %parallel_loop3A_343 : i32 to index
      %parallel_loop3A_345 = tpu.vector_load %arg6[%parallel_loop3A_344] {strides = array<i32>} : memref<57344xf32, #tpu.memory_space<vmem>>, vector<16xf32>,
      %parallel_loop3A_346 = vector.shape_cast %parallel_loop3A_345 : vector<16xf32> to vector<16xf32>
      %parallel_loop3A_347 = arith.addf %parallel_loop3A_346, %gather3A_335 : vector<16xf32>
      %parallel_loop3A_348 = arith.index_cast %parallel_loop3A_343 : i32 to index
      %parallel_loop3A_349 = tpu.vector_load %arg7[%parallel_loop3A_348] {strides = array<i32>} : memref<57344xf32, #tpu.memory_space<vmem>>, vector<16xf32>,
      %parallel_loop3A_350 = vector.shape_cast %parallel_loop3A_349 : vector<16xf32> to vector<16xf32>
      %parallel_loop3A_351 = vector.shape_cast %parallel_loop3A_347 : vector<16xf32> to vector<16xf32>
      tpu.vector_store %arg7[%parallel_loop3A_348], %parallel_loop3A_351 {strides = array<i32>} : memref<57344xf32, #tpu.memory_space<vmem>>, vector<16xf32>,
    } {sc.loop_unroll_factor = 8 : i64, sc.parallel_access}
    %add3A_339 = arith.constant 262144 : i32
    %add3A_340 = arith.addi %mul3A_96, %add3A_339 : i32
    "tpu.region"() ({
      %run_scoped3A = tpu.sem_alloc : memref<!tpu.dma_semaphore, #tpu.memory_space<semaphore_mem>>
      %dma_start3A_341 = arith.constant 0 : i32
      %dma_start3A_342 = tpu.memref_slice %arg7[%dma_start3A_341] : memref<57344xf32, #tpu.memory_space<vmem>> -> memref<24576xf32, #tpu.memory_space<vmem>>
      %dma_start3A_343 = tpu.memref_slice %arg5[%add3A_340] : memref<52428800xf32, #tpu.memory_space<hbm>> -> memref<24576xf32, #tpu.memory_space<hbm>>
      %dma_start3A_344 = tpu.memref_slice %arg5[%add3A_340] : memref<52428800xf32, #tpu.memory_space<hbm>> -> memref<24576xf32, #tpu.memory_space<hbm>>
      %dma_start3A_345 = arith.constant 0 : i32
      %dma_start3A_346 = tpu.memref_slice %arg7[%dma_start3A_345] : memref<57344xf32, #tpu.memory_space<vmem>> -> memref<24576xf32, #tpu.memory_space<vmem>>
      tpu.enqueue_dma source(%dma_start3A_346 : memref<24576xf32, #tpu.memory_space<vmem>>) target(%dma_start3A_344 : memref<24576xf32, #tpu.memory_space<hbm>>) target_semaphore(%run_scoped3A : memref<!tpu.dma_semaphore, #tpu.memory_space<semaphore_mem>>)
      %dma_wait3A_347 = arith.constant 0 : i32
      %dma_wait3A_348 = tpu.memref_slice %arg7[%dma_wait3A_347] : memref<57344xf32, #tpu.memory_space<vmem>> -> memref<24576xf32, #tpu.memory_space<vmem>>
      %dma_wait3A_349 = tpu.memref_slice %arg5[%add3A_340] : memref<52428800xf32, #tpu.memory_space<hbm>> -> memref<24576xf32, #tpu.memory_space<hbm>>
      %dma_wait3A_350 = tpu.memref_slice %arg5[%add3A_340] : memref<52428800xf32, #tpu.memory_space<hbm>> -> memref<24576xf32, #tpu.memory_space<hbm>>
      %dma_wait3A_351 = arith.constant 0 : i32
      %dma_wait3A_352 = tpu.memref_slice %arg7[%dma_wait3A_351] : memref<57344xf32, #tpu.memory_space<vmem>> -> memref<24576xf32, #tpu.memory_space<vmem>>
      tpu.wait_dma2 semaphore(%run_scoped3A : memref<!tpu.dma_semaphore, #tpu.memory_space<semaphore_mem>>) src(%dma_wait3A_352 : memref<24576xf32, #tpu.memory_space<vmem>>) dst(%dma_wait3A_350 : memref<24576xf32, #tpu.memory_space<hbm>>)
      tpu.yield
    }) : () -> ()
    return
  }
}

module attributes {stable_mosaic.version = 14 : i64} {
  func.func @_e_body(%arg0: memref<64x4096xf32, #tpu.memory_space<vmem>>, %arg1: memref<64x64xf32, #tpu.memory_space<vmem>>, %arg2: memref<64x1xf32, #tpu.memory_space<vmem>>, %arg3: memref<64x4096xf32, #tpu.memory_space<vmem>>) attributes {dimension_semantics = [], scalar_prefetch = 0 : i64, scratch_operands = 0 : i64, tpu.core_type = #tpu.core_type<tc>} {
    %get3A = arith.constant 0 : index
    %get3A_0 = arith.constant 0 : index
    %get3A_1 = vector.load %arg1[%get3A, %get3A_0] : memref<64x64xf32, #tpu.memory_space<vmem>>, vector<64x64xf32>
    %get3A_2 = arith.constant 0 : index
    %get3A_3 = arith.constant 0 : index
    %get3A_4 = vector.load %arg0[%get3A_2, %get3A_3] : memref<64x4096xf32, #tpu.memory_space<vmem>>, vector<64x1024xf32>
    %dot_general3A = arith.constant dense<0.000000e+00> : vector<64x1024xf32>
    %dot_general3A_5 = tpu.matmul %get3A_1, %get3A_4, %dot_general3A {dimension_numbers = #tpu.dot_dimension_numbers<[0], [0], [1], [1], [0, 1, 1, 1], [], []>, transpose_lhs_hint = false} : vector<64x64xf32>, vector<64x1024xf32>, vector<64x1024xf32> -> vector<64x1024xf32>
    %get3A_6 = arith.constant 0 : index
    %get3A_7 = arith.constant 0 : index
    %get3A_8 = vector.load %arg2[%get3A_6, %get3A_7] : memref<64x1xf32, #tpu.memory_space<vmem>>, vector<64x1xf32>
    %add3A = vector.broadcast %get3A_8 : vector<64x1xf32> to vector<64x1024xf32>
    %add3A_9 = arith.addf %dot_general3A_5, %add3A : vector<64x1024xf32>
    %swap3A = arith.constant 0 : index
    %swap3A_10 = arith.constant 0 : index
    %swap3A_11 = vector.load %arg3[%swap3A, %swap3A_10] : memref<64x4096xf32, #tpu.memory_space<vmem>>, vector<64x1024xf32>
    tpu.vector_store %arg3[%swap3A, %swap3A_10], %add3A_9 {strides = array<i32>} : memref<64x4096xf32, #tpu.memory_space<vmem>>, vector<64x1024xf32>,
    %get3A_12 = arith.constant 0 : index
    %get3A_13 = arith.constant 0 : index
    %get3A_14 = vector.load %arg1[%get3A_12, %get3A_13] : memref<64x64xf32, #tpu.memory_space<vmem>>, vector<64x64xf32>
    %get3A_15 = arith.constant 0 : index
    %get3A_16 = arith.constant 1024 : index
    %get3A_17 = vector.load %arg0[%get3A_15, %get3A_16] : memref<64x4096xf32, #tpu.memory_space<vmem>>, vector<64x1024xf32>
    %dot_general3A_18 = arith.constant dense<0.000000e+00> : vector<64x1024xf32>
    %dot_general3A_19 = tpu.matmul %get3A_14, %get3A_17, %dot_general3A_18 {dimension_numbers = #tpu.dot_dimension_numbers<[0], [0], [1], [1], [0, 1, 1, 1], [], []>, transpose_lhs_hint = false} : vector<64x64xf32>, vector<64x1024xf32>, vector<64x1024xf32> -> vector<64x1024xf32>
    %get3A_20 = arith.constant 0 : index
    %get3A_21 = arith.constant 0 : index
    %get3A_22 = vector.load %arg2[%get3A_20, %get3A_21] : memref<64x1xf32, #tpu.memory_space<vmem>>, vector<64x1xf32>
    %add3A_23 = vector.broadcast %get3A_22 : vector<64x1xf32> to vector<64x1024xf32>
    %add3A_24 = arith.addf %dot_general3A_19, %add3A_23 : vector<64x1024xf32>
    %swap3A_25 = arith.constant 0 : index
    %swap3A_26 = arith.constant 1024 : index
    %swap3A_27 = vector.load %arg3[%swap3A_25, %swap3A_26] : memref<64x4096xf32, #tpu.memory_space<vmem>>, vector<64x1024xf32>
    tpu.vector_store %arg3[%swap3A_25, %swap3A_26], %add3A_24 {strides = array<i32>} : memref<64x4096xf32, #tpu.memory_space<vmem>>, vector<64x1024xf32>,
    %get3A_28 = arith.constant 0 : index
    %get3A_29 = arith.constant 0 : index
    %get3A_30 = vector.load %arg1[%get3A_28, %get3A_29] : memref<64x64xf32, #tpu.memory_space<vmem>>, vector<64x64xf32>
    %get3A_31 = arith.constant 0 : index
    %get3A_32 = arith.constant 2048 : index
    %get3A_33 = vector.load %arg0[%get3A_31, %get3A_32] : memref<64x4096xf32, #tpu.memory_space<vmem>>, vector<64x1024xf32>
    %dot_general3A_34 = arith.constant dense<0.000000e+00> : vector<64x1024xf32>
    %dot_general3A_35 = tpu.matmul %get3A_30, %get3A_33, %dot_general3A_34 {dimension_numbers = #tpu.dot_dimension_numbers<[0], [0], [1], [1], [0, 1, 1, 1], [], []>, transpose_lhs_hint = false} : vector<64x64xf32>, vector<64x1024xf32>, vector<64x1024xf32> -> vector<64x1024xf32>
    %get3A_36 = arith.constant 0 : index
    %get3A_37 = arith.constant 0 : index
    %get3A_38 = vector.load %arg2[%get3A_36, %get3A_37] : memref<64x1xf32, #tpu.memory_space<vmem>>, vector<64x1xf32>
    %add3A_39 = vector.broadcast %get3A_38 : vector<64x1xf32> to vector<64x1024xf32>
    %add3A_40 = arith.addf %dot_general3A_35, %add3A_39 : vector<64x1024xf32>
    %swap3A_41 = arith.constant 0 : index
    %swap3A_42 = arith.constant 2048 : index
    %swap3A_43 = vector.load %arg3[%swap3A_41, %swap3A_42] : memref<64x4096xf32, #tpu.memory_space<vmem>>, vector<64x1024xf32>
    tpu.vector_store %arg3[%swap3A_41, %swap3A_42], %add3A_40 {strides = array<i32>} : memref<64x4096xf32, #tpu.memory_space<vmem>>, vector<64x1024xf32>,
    %get3A_44 = arith.constant 0 : index
    %get3A_45 = arith.constant 0 : index
    %get3A_46 = vector.load %arg1[%get3A_44, %get3A_45] : memref<64x64xf32, #tpu.memory_space<vmem>>, vector<64x64xf32>
    %get3A_47 = arith.constant 0 : index
    %get3A_48 = arith.constant 3072 : index
    %get3A_49 = vector.load %arg0[%get3A_47, %get3A_48] : memref<64x4096xf32, #tpu.memory_space<vmem>>, vector<64x1024xf32>
    %dot_general3A_50 = arith.constant dense<0.000000e+00> : vector<64x1024xf32>
    %dot_general3A_51 = tpu.matmul %get3A_46, %get3A_49, %dot_general3A_50 {dimension_numbers = #tpu.dot_dimension_numbers<[0], [0], [1], [1], [0, 1, 1, 1], [], []>, transpose_lhs_hint = false} : vector<64x64xf32>, vector<64x1024xf32>, vector<64x1024xf32> -> vector<64x1024xf32>
    %get3A_52 = arith.constant 0 : index
    %get3A_53 = arith.constant 0 : index
    %get3A_54 = vector.load %arg2[%get3A_52, %get3A_53] : memref<64x1xf32, #tpu.memory_space<vmem>>, vector<64x1xf32>
    %add3A_55 = vector.broadcast %get3A_54 : vector<64x1xf32> to vector<64x1024xf32>
    %add3A_56 = arith.addf %dot_general3A_51, %add3A_55 : vector<64x1024xf32>
    %swap3A_57 = arith.constant 0 : index
    %swap3A_58 = arith.constant 3072 : index
    %swap3A_59 = vector.load %arg3[%swap3A_57, %swap3A_58] : memref<64x4096xf32, #tpu.memory_space<vmem>>, vector<64x1024xf32>
    tpu.vector_store %arg3[%swap3A_57, %swap3A_58], %add3A_56 {strides = array<i32>} : memref<64x4096xf32, #tpu.memory_space<vmem>>, vector<64x1024xf32>,
    return
  }
}

</mosaic_0001>

<sc_bundles>
// kernel: kernel.4.cloned.1.call-start
scs
__scs_entry_jumppad:
0x0: {  	(pc) =	sbr.rel $0x88, $3  }
0x1: {  	(tag) =	ssettag $0x0;
	lr =	simm.s32 $0x1  }
0x2: {  	[smem:$0x3F9C] =	sst lr;
	_ =	strace $0xD0000000  }
0x3: {  	_ = 	snop  }
0x4: {  	_ = 	snop  }
0x5: {  	_ = 	snop  }
0x6: {  	_ = 	snop  }
0x7: {  	_ = 	snop  }
__scs_overlays_trampoline_lowered:
0x8: {  	[smem:$0x3FAB] =	sst s0  }
0x9: {  	[smem:$0x3FAC] =	sst s1  }
0xa: {  	[smem:$0x3FAD] =	sst s2  }
0xb: {  	[smem:$0x3FAE] =	sst s3  }
0xc: {  	[smem:$0x3FAF] =	sst s4  }
0xd: {  	[smem:$0x3FB0] =	sst s5  }
0xe: {  	[smem:$0x3FB1] =	sst s6  }
0xf: {  	[smem:$0x3FB2] =	sst s7  }
0x10: {  	[smem:$0x3FB3] =	sst s8  }
0x11: {  	[smem:$0x3FB4] =	sst s9;
	s0 =	simm.s32 @!p0 $0x0  }
0x12: {  	s1 =	sld [smem:$0x3F9A];
	s0 =	simm.s32 @p0 $0x1  }
0x13: {  	[smem:$0x3FB5] =	sst s0;
	s0 =	simm.s32 @!p1 $0x0  }
0x14: {  	s2 =	sld [smem:$0x3F99];
	s0 =	simm.s32 @p1 $0x1  }
0x15: {  	[smem:$0x3FB6] =	sst s0;
	s0 =	simm.s32 @!p2 $0x0  }
0x16: {  	s3 =	sld [smem:$0x3FDB];
	s0 =	simm.s32 @p2 $0x1  }
0x17: {  	s4 =	simm.s32 $0x1BF5;
	[smem:$0x3FB8] =	sst s0  }
0x18: {  	s0 =	sld [smem:$0x3F9B];
	_ =	swait.ge [sflag:s4], $0x0  }
0x19: {  	s7 =	sld [smem:$0x3F9C]  }
0x1a: {  	s8 =	sadd.s32 $0xFFFFE003, lr  }
0x1b: {  	s9 =	sadd.s32 $0xFFFFFEF7, lr;
	s5 =	simm.s32 $0xFFFFFFFF;
	p2 =	slt.u32 s8, $0xFFFFF086  }
0x1c: {  	p1 =	slt.u32 s9, $0xF7A;
	s5 =	simm.s32 @!p2 $0x0  }
0x1d: {  	s5 =	simm.s32 @p1 $0x1;
	p0 =	seq.s32 s7, s2  }
0x1e: {  	s7 =	smul.u32 @!p0 $0xF7A, s2;
	p2 =	seq.s32 @!p0 s5, $0x0  }
0x1f: {  	s9 =	smul.u32 $0xF7A, s1;
	s8 =	simm.s32 @!p0 $0x1BF5;
	p2 =	por !p2, p0  }
0x20: {  	[sflag:s8] =	ssyncset.s32 @!p0 $0xFFFFF086;
	s6 =	sadd.s32 @!p0 s3, s7;
	s7 =	simm.s32 @!p0 $0x108  }
0x21: {  	s3 =	sadd.s32 s3, s9;
	s6 =	sadd.s32 @!p0 $0x88, s6;
	s7 =	simm.s32 @p2 $0x1082  }
0x22: {  	[simem:s7], [sflag:s8] =	dma.local @!p0 [hbm:s6], $0xF7A  }
0x23: {  	s9 =	sor.u32 $0xD0000000, s2;
	s6 =	simm.s32 $0x108;
	_ =	swait.ge @!p0 [sflag:s8], $0x0  }
0x24: {  	s3 =	sadd.s32 $0x88, s3;
	s6 =	simm.s32 @!p1 $0x1082;
	[sflag:s4] =	ssyncset.s32 $0xFFFFF086  }
0x25: {  	[simem:s6], [sflag:s4] =	dma.local [hbm:s3], $0xF7A  }
0x26: {  	[smem:$0x3F9C] =	sst s1;
	(tag) =	ssettag s2;
	_ =	strace s9  }
0x27: {  	s1 =	sld [smem:$0x3FAC]  }
0x28: {  	s2 =	sld [smem:$0x3FAD]  }
0x29: {  	s4 =	sld [smem:$0x3FAF]  }
0x2a: {  	p0 =	seq.s32 s5, $0x0;
	s5 =	sld [smem:$0x3FB0]  }
0x2b: {  	s6 =	sld [smem:$0x3FB1]  }
0x2c: {  	s7 =	sld [smem:$0x3FB2]  }
0x2d: {  	s3 =	simm.s32 $0x108;
	s8 =	sld [smem:$0x3FB3]  }
0x2e: {  	s3 =	simm.s32 @!p0 $0x1082;
	s9 =	sld [smem:$0x3FB4]  }
0x2f: {  	lr =	sadd.s32 s0, s3;
	s0 =	sld [smem:$0x3FAB]  }
0x30: {  	s3 =	sld [smem:$0x3FAE]  }
0x31: {  	[smem:$0x3FB7] =	sst s10  }
0x32: {  	s10 =	sld [smem:$0x3FB5];
	_ =	sdelay $0x3  }
0x33: {  	p0 =	seq.s32 s10, $0x1;
	s10 =	sld [smem:$0x3FB7];
	_ =	sdelay $0x3  }
0x34: {  	[smem:$0x3FB7] =	sst s10  }
0x35: {  	s10 =	sld [smem:$0x3FB6];
	_ =	sdelay $0x3  }
0x36: {  	p1 =	seq.s32 s10, $0x1;
	s10 =	sld [smem:$0x3FB7];
	_ =	sdelay $0x3  }
0x37: {  	[smem:$0x3FB7] =	sst s10  }
0x38: {  	s10 =	sld [smem:$0x3FB8]  }
0x39: {  	_ = 	snop;
	(pc) =	sbr.ind lr, $3  }
0x3a: {  	_ = 	snop  }
0x3b: {  	_ = 	snop  }
0x3c: {  	p2 =	seq.s32 s10, $0x1;
	s10 =	sld [smem:$0x3FB7]  }
0x3d: {  	_ =	shalt  }
0x3e: {  	_ =	shalt  }
0x3f: {  	_ =	shalt  }
0x40: {  	_ =	shalt  }
0x41: {  	_ =	shalt  }
0x42: {  	_ =	shalt  }
0x43: {  	_ =	shalt  }
0x44: {  	_ =	shalt  }
0x45: {  	_ =	shalt  }
0x46: {  	_ =	shalt  }
0x47: {  	_ =	shalt  }
0x48: {  	_ =	shalt  }
0x49: {  	_ =	shalt  }
0x4a: {  	_ =	shalt  }
0x4b: {  	_ =	shalt  }
0x4c: {  	_ =	shalt  }
0x4d: {  	_ =	shalt  }
0x4e: {  	_ =	shalt  }
0x4f: {  	_ =	shalt  }
0x50: {  	_ =	shalt  }
0x51: {  	_ =	shalt  }
0x52: {  	_ =	shalt  }
0x53: {  	_ =	shalt  }
0x54: {  	_ =	shalt  }
0x55: {  	_ =	shalt  }
0x56: {  	_ =	shalt  }
0x57: {  	_ =	shalt  }
0x58: {  	_ =	shalt  }
0x59: {  	_ =	shalt  }
0x5a: {  	_ =	shalt  }
0x5b: {  	_ =	shalt  }
0x5c: {  	_ =	shalt  }
0x5d: {  	_ =	shalt  }
0x5e: {  	_ =	shalt  }
0x5f: {  	_ =	shalt  }
0x60: {  	_ =	shalt  }
0x61: {  	_ =	shalt  }
0x62: {  	_ =	shalt  }
0x63: {  	_ =	shalt  }
0x64: {  	_ =	shalt  }
0x65: {  	_ =	shalt  }
0x66: {  	_ =	shalt  }
0x67: {  	_ =	shalt  }
0x68: {  	_ =	shalt  }
0x69: {  	_ =	shalt  }
0x6a: {  	_ =	shalt  }
0x6b: {  	_ =	shalt  }
0x6c: {  	_ =	shalt  }
0x6d: {  	_ =	shalt  }
0x6e: {  	_ =	shalt  }
0x6f: {  	_ =	shalt  }
0x70: {  	_ =	shalt  }
0x71: {  	_ =	shalt  }
0x72: {  	_ =	shalt  }
0x73: {  	_ =	shalt  }
0x74: {  	_ =	shalt  }
0x75: {  	_ =	shalt  }
0x76: {  	_ =	shalt  }
0x77: {  	_ =	shalt  }
0x78: {  	_ =	shalt  }
0x79: {  	_ =	shalt  }
0x7a: {  	_ =	shalt  }
0x7b: {  	_ =	shalt  }
0x7c: {  	_ =	shalt  }
0x7d: {  	_ =	shalt  }
0x7e: {  	_ =	shalt  }
0x7f: {  	_ =	shalt  }
0x80: {  	_ =	shalt  }
0x81: {  	_ =	shalt  }
0x82: {  	_ =	shalt  }
0x83: {  	_ =	shalt  }
0x84: {  	_ =	shalt  }
0x85: {  	_ =	shalt  }
0x86: {  	_ =	shalt  }
0x87: {  	_ =	shalt  }
.Lfunc_end0:
.L_simem_size_0:
called_computation.1_lowered:
.L_overlay_start_0:
0x88: {  	s2 =	sld [smem:$0x3FD9]  }
0x89: {  	s3 =	sld [smem:$0x3FFE];
	_ =	sdelay $0x1  }
0x8a: {  	s1 =	srdreg.scid  }
0x8b: {  	s0 =	sand.u32 $0x1, s1  }
0x8c: {  	s17 =	sshll.u32 s0, $0xA;
	s2 =	sadd.s32 s3, s2  }
0x8d: {  	s2 =	sadd.s32 s2, s17  }
0x8e: {  	[smem:$0x3FC3] =	sst s2  }
0x8f: {  	_ = 	snop  }
0x90: {  	s2 =	sld [smem:$0x3FD0];
	(tm) =	ssettm $0x1  }
0x91: {  	s18 =	sld [smem:$0x3FFB];
	_ =	sdelay $0x3  }
0x92: {  	_ =	strace s18  }
0x93: {  	s3 =	sld [smem:$0x3FFC];
	_ =	sdelay $0x3  }
0x94: {  	_ =	strace s3  }
0x95: {  	s3 =	sld [smem:$0x3FFD];
	_ =	sdelay $0x3  }
0x96: {  	_ =	strace s3  }
0x97: {  	_ =	strace $0x8FFFFFFF  }
0x98: {  	s19 =	sld [smem:$0x3FDB];
	_ =	sdelay $0x1  }
0x99: {  	s4 =	simm.s32 $_scs_section_size  }
0x9a: {  	s5 =	simm.s32 $_size__tile_overlayer_lowered;
	s6 =	simm.s32 $_tile_overlayer_lowered  }
0x9b: {  	s22 =	simm.s32 $0x1BFF;
	s21 =	sshll.u32 s6, $0x1;
	s3 =	sadd.s32 s4, s19  }
0x9c: {  	s7 =	simm.s32 $0x0;
	s20 =	sshll.u32 s5, $0x1;
	s5 =	sadd.s32 s21, s3  }
0x9d: {  	[timem:s7], [sflag:s22] =	dma.local [hbm:s5], s20  }
0x9e: {  	_ =	swait.ge [sflag:s22], s20  }
0x9f: {  	s4 =	ssub.s32 $0x0, s20;
	[sflag:s22] =	ssyncset.done $0x0  }
0xa0: {  	[sflag:s22] =	ssyncadd.s32 s4;
	_ =	sdelay $0x1  }
0xa1: {  	s23 =	simm.s32 $0x1B8B  }
0xa2: {  	_ =	swait.ge [sflag:s23], $0x1  }
0xa3: {  	[sflag:s23] =	ssyncset.done $0x0  }
0xa4: {  	s25 =	simm.s32 $0x1B8E;
	s24 =	sld [smem:$0x3FFE];
	[sflag:s23] =	ssyncadd.s32 $0xFFFFFFFF  }
0xa5: {  	s26 =	simm.s32 $execute0_lowered;
	[smem:$0x3FD2] =	sst s25  }
0xa6: {  	s5 =	sshll.u32 s26, $0x1;
	_ =	strace $0x80000049;
	[dreg:$0x1] =	wrdreg $0xFFFFFFFF  }
0xa7: {  	s28 =	simm.s32 $_size_execute0_lowered;
	s3 =	sadd.s32 s3, s5;
	[dreg:$0x0] =	wrdreg $0x0  }
0xa8: {  	s5 =	sshll.u32 s28, $0x1;
	[dreg:$0x2] =	wrdreg s3  }
0xa9: {  	[dreg:$0x3] =	wrdreg s5  }
0xaa: {  	[dreg:$0x4] =	wrdreg $0xC0  }
0xab: {  	_ =	task [dreg:s7], $0x5FFFF  }
0xac: {  	[dreg:$0x1] =	wrdreg $0xFFFFFFFF  }
0xad: {  	[dreg:$0x0] =	wrdreg $0x60  }
0xae: {  	[dreg:$0x2] =	wrdreg s2  }
0xaf: {  	[dreg:$0x3] =	wrdreg s24  }
0xb0: {  	[dreg:$0x4] =	wrdreg $0x9  }
0xb1: {  	_ =	task.clear_ibuf [dreg:s7], $0x5FFFF;
	_ =	strace $0x90000049  }
0xb2: {  	s29 =	simm.s32 $0x9;
	_ =	strace $0x8000004B  }
0xb3: {  	_ =	swait.ge [sflag:s29], $0x1  }
0xb4: {  	[sflag:s29] =	ssyncadd.s32 $0xFFFFFFFF  }
0xb5: {  	_ =	strace $0x9000004B  }
0xb6: {  	_ =	sfence  }
0xb7: {  	s30 =	sld [smem:$0x0];
	_ =	sdelay $0x2  }
0xb8: {  	s31 =	sshll.u32 s1, $0xD;
	s1 =	sshrl.u32 s1, $0x2  }
0xb9: {  	s3 =	sand.u32 $0x4000, s31;
	s1 =	sadd.s32 s1, s30  }
0xba: {  	s0 =	sor.u32 s3, s0;
	s1 =	sshll.u32 s1, $0x11  }
0xbb: {  	s0 =	sor.u32 s1, s0  }
0xbc: {  	s0 =	sadd.s32 $0x8F2B, s0  }
0xbd: {  	[sflag:s0] =	ssyncadd.remote.s32 $0x1  }
0xbe: {  	_ =	sfence.sel $0xFFFF  }
0xbf: {  	[dreg:$0x0] =	wrdreg $0xFFFFFFFF;
	(pc) =	sbr.abs _section_cstart, $3  }
0xc0: {  	[dreg:$0x1] =	wrdreg $0xFFFFFFFF  }
0xc1: {  	_ =	task.clear_ibuf [dreg:s7], $0x2FFFF;
	_ =	strace $0x9FFFFFFF  }
0xc2: {  	(tm) =	ssettm $0x7FFFFFFF  }
0xc3: {  	_ =	shalt  }
tec
execute0_lowered:
.L_overlay_start_1:
0x0: {  	(tag) =	ssettag $0x1  }
0x1: {  	s0 =	srdreg.scid;
	s2 =	rddreg [dreg:$0x0]  }
0x2: {  	s1 =	stileid.u32;
	s6 =	rddreg [dreg:$0x1]  }
0x3: {  	s3 =	simm.s32 $0x0;
	s0 =	sand.u32 $0x1, s0;
	s1 =	sshll.u32 s1, $0x1  }
0x4: {  	s28 =	simm.s32 $0x0;
	[smem:$0x7FF] =	sst s3;
	s1 =	sor.u32 s0, s1  }
0x5: {  	s10 =	sadd.s32 $0x9400, s6;
	_ =	strace $0x8000004A;
	s4 =	smul.u32 $0x18E, s1  }
0x6: {  	s0 =	ssub.s32 $0x2, s0;
	s7 =	sshll.u32 s1, $0xA;
	s11 =	smul.u32 $0x18E000, s1  }
0x7: {  	s14 =	sshrl.u32 s0, $0x1;
	s1 =	smul.u32 $0x31C00, s1;
	s9 =	sadd.s32 s7, s6  }
0x8: {  	s0 =	ssub.s32 s0, s14;
	s7 =	sadd.s32 s10, s7;
	s5 =	sshrl.u32 s4, $0x3  }
0x9: {  	s15 =	sadd.s32 $0xC00, s9;
	s16 =	sshrl.u32 s11, $0x3;
	[dreg:$0x5] =	wrdreg s7  }
0xa: {  	s1 =	sadd.s32 s2, s1;
	s11 =	sadd.s32 $0x11400, s6;
	s12 =	sadd.s32 $0xE, s4  }
0xb: {  	s8 =	sadd.s32 s5, s6;
	s5 =	sand.u32 $0x6, s4;
	[dreg:$0x4] =	wrdreg s15  }
0xc: {  	[dreg:$0x6] =	wrdreg s1;
	s17 =	sadd.s32 s2, s16;
	s8 =	sadd.s32 $0x8C00, s8  }
0xd: {  	s18 =	sadd.s32 $0xE00, s17;
	s1 =	sadd.s32 $0x31000, s17;
	s19 =	sor.u32 $0x8, s5  }
0xe: {  	s20 =	sadd.s32 $0x18A, s5;
	s21 =	sor.u32 $0x9, s5;
	[dreg:$0x3] =	wrdreg s8  }
0xf: {  	s23 =	sadd.s32 $0x18B, s5;
	s26 =	sadd.s32 $0x18C, s5;
	[dreg:$0x7] =	wrdreg s18  }
0x10: {  	s30 =	sadd.s32 $0x18D, s5;
	[dreg:$0x8] =	wrdreg s1;
	s22 =	sand.u32 $0x190, s20  }
0x11: {  	v0 =	vmov s19;
	s24 =	sand.u32 $0xE, s20;
	s25 =	sand.u32 $0x190, s23;
	v1 =	vmov s21;
	s29 =	sand.u32 $0x190, s26;
	v3 =	vmov s23  }
0x12: {  	s8 =	sadd.s32 s10, s16;
	s31 =	sand.u32 $0xE, s26;
	v4 =	vmov s30;
	[dreg:$0x9] =	wrdreg s22;
	v0 =	vbroadcast v0, $0x0;
	v1 =	vbroadcast v1, $0x0  }
0x13: {  	s17 =	sand.u32 $0x190, s30;
	s19 =	smax.u32 s0, $0x1;
	[dreg:$0xa] =	wrdreg s25;
	v2 =	vmov s24;
	v3 =	vand.u32 $0xF, v3;
	v5 =	vmov s31  }
0x14: {  	s21 =	simm.s32 $0x5;
	[dreg:$0xb] =	wrdreg s29;
	s18 =	sadd.s32 $0x39000, s8;
	v6 =	vand.u32 $0xF, v4;
	v2 =	vbroadcast v2, $0x0;
	v3 =	vbroadcast v3, $0x0  }
0x15: {  	s22 =	simm.s32 $0x1C200;
	s24 =	simm.s32 $0x3;
	s25 =	simm.s32 $0x4;
	v4 =	vbroadcast v5, $0x0;
	v5 =	vbroadcast v6, $0x0  }
.LBB2_1:
0x16: {  	s0 =	rddreg [dreg:$0x3];
	s1 =	simm.s32 $0x1C000  }
0x17: {  	[tilespmem:s1], [sflag:$0x5] =	stream.linear.gather [hbm4b:s0+s3], $0x1A0, $0x38;
	[tilespmem:$0x1E200] =	vst v63  }
0x18: {  	_ =	swait.ge [sflag:s21], $0x1A0  }
0x19: {  	[sflag:s21] =	ssyncset.done $0x0  }
0x1a: {  	s20 =	rddreg [dreg:$0x4];
	[sflag:s21] =	ssyncadd.s32 $0xFFFFFE60  }
0x1b: {  	[tilespmem:s22], [sflag:$0x5] =	stream.linear.gather [hbm4b:s20+s3], $0x2000, $0x38;
	[tilespmem:$0x1E200] =	vst v63  }
0x1c: {  	_ =	swait.ge [sflag:s21], $0x2000  }
0x1d: {  	[sflag:s21] =	ssyncset.done $0x0  }
0x1e: {  	s23 =	rddreg [dreg:$0x5];
	[sflag:s21] =	ssyncadd.s32 $0xFFFFE000  }
0x1f: {  	[hbm4b:s23+s3] =	stream.linear.scatter [tilespmem:s22], [sflag:$0x5], $0x2000, $0x38;
	[tilespmem:$0x1E200] =	vst v63  }
0x20: {  	_ =	swait.ge [sflag:s21], $0x2000  }
0x21: {  	[sflag:s21] =	ssyncset.done $0x0  }
0x22: {  	s31 =	simm.s32 $0x7000;
	s26 =	rddreg [dreg:$0x6];
	[sflag:s21] =	ssyncadd.s32 $0xFFFFE000  }
0x23: {  	[tilespmem:s3], [sflag:$0x1] =	stream.linear.gather [hbm4b:s26+s3], $0x7000, $0x38;
	[tilespmem:$0x1E200] =	vst v63  }
0x24: {  	p0 =	por $0x0, $0x0;
	s29 =	simm.s32 $0x0;
	s30 =	rddreg [dreg:$0x7]  }
0x25: {  	[tilespmem:s31], [sflag:$0x2] =	stream.linear.gather [hbm4b:s30+s3], $0x7000, $0x38;
	[tilespmem:$0x1E200] =	vst v63  }
.LBB2_2:
0x26: {  	s31 =	sand.u32 $0x1, s29  }
0x27: {  	s30 =	sadd.s32 $0x1, s31  }
0x28: {  	_ =	swait.ge [sflag:s30], $0x7000  }
0x29: {  	s0 =	simm.s32 $0x1;
	p1 =	slt.u32 s29, $0x2;
	[sflag:s30] =	ssyncset.done $0x0  }
0x2a: {  	s1 =	smul.u32 $0x7, s29;
	s6 =	sadd.s32 @!p1 $0x3, s31;
	[sflag:s30] =	ssyncadd.s32 $0xFFFF9000  }
0x2b: {  	s0 =	simm.s32 @!p0 $0x0;
	_ =	swait.ge @!p1 [sflag:s6], $0x7000  }
0x2c: {  	s0 =	smul.u32 $0x1C000, s0;
	s23 =	sadd.s32 s5, s1;
	[sflag:s6] =	ssyncset.done @!p1 $0x0  }
0x2d: {  	s20 =	sand.u32 $0x3F0, s23;
	[sflag:s6] =	ssyncadd.s32 @!p1 $0xFFFF9000  }
0x2e: {  	s26 =	sshrl.u32 s0, $0x2;
	v6 =	vld [tilespmem:s20+$0x1C000]  }
0x2f: {  	s16 =	sor.u32 $0x40, s26  }
0x30: {  	v10 =	vld [tilespmem:s16+$0x30]  }
0x31: {  	v11 =	vld [tilespmem:s16+$0xFFFFFFD0]  }
0x32: {  	v7 =	vmov s23;
	v13 =	vld [tilespmem:s16+$0xFFFFFFE0]  }
0x33: {  	v6 =	vperm.xlane v6, v7;
	v7 =	vld [tilespmem:s16+$0xFFFFFFF0]  }
0x34: {  	s15 =	simm.s32 $0x0;
	s0 =	smul.u32 $0x7000, s31;
	v8 =	vld [tilespmem:s16+$0x0]  }
0x35: {  	s7 =	sadd.s32 $0x3070, s26;
	s8 =	sor.u32 $0x10070, s26;
	s9 =	sadd.s32 $0x2070, s26;
	v9 =	vld [tilespmem:s16+$0x10];
	v14 =	vadd.f32 v10, v6  }
0x36: {  	s10 =	sadd.s32 $0xF070, s26;
	s13 =	sadd.s32 $0x1070, s26;
	s14 =	sadd.s32 $0xE040, s26;
	v10 =	vld [tilespmem:s16+$0x20];
	v12 =	vadd.f32 v11, v6  }
0x37: {  	s6 =	sadd.s32 $0x11070, s26;
	s20 =	sadd.s32 s4, s1;
	v11 =	vld [tilespmem:s16+$0xFFFFFFC0];
	v13 =	vadd.f32 v13, v6;
	s16 =	sadd.s32 $0x80, s16;
	[tilespmem:s14+$0x30] =	vst v14  }
.LBB2_3:
0x38: {  	v14 =	vld [tilespmem:s16+$0x30];
	s15 =	sadd.s32 $0x80, s15;
	[tilespmem:s14+$0xFFFFFFD0] =	vst v12;
	v7 =	vadd.f32 v7, v6  }
0x39: {  	v12 =	vld [tilespmem:s16+$0xFFFFFFD0];
	p1 =	slt.u32 s15, $0xF80;
	[tilespmem:s14+$0xFFFFFFE0] =	vst v13;
	v8 =	vadd.f32 v8, v6  }
0x3a: {  	v13 =	vld [tilespmem:s16+$0xFFFFFFE0];
	[tilespmem:s14+$0xFFFFFFF0] =	vst v7;
	v9 =	vadd.f32 v9, v6  }
.Ltmp0:
0x3b: {  	v7 =	vld [tilespmem:s16+$0xFFFFFFF0];
	[tilespmem:s14+$0x0] =	vst v8;
	v10 =	vadd.f32 v10, v6;
	(pc) =	sbr.rel @p1 .LBB2_3-.Ltmp0, $4  }
0x3c: {  	v8 =	vld [tilespmem:s16+$0x0];
	v11 =	vadd.f32 v11, v6;
	[tilespmem:s14+$0x10] =	vst v9  }
0x3d: {  	v9 =	vld [tilespmem:s16+$0x10];
	v14 =	vadd.f32 v14, v6;
	[tilespmem:s14+$0x20] =	vst v10  }
0x3e: {  	v12 =	vadd.f32 v12, v6;
	v10 =	vld [tilespmem:s16+$0x20];
	[tilespmem:s14+$0xFFFFFFC0] =	vst v11;
	s14 =	sadd.s32 $0x80, s14  }
0x3f: {  	v11 =	vld [tilespmem:s16+$0xFFFFFFC0];
	v13 =	vadd.f32 v13, v6;
	[tilespmem:s14+$0x30] =	vst v14;
	s16 =	sadd.s32 $0x80, s16  }
0x40: {  	[tilespmem:s14+$0xFFFFFFD0] =	vst v12;
	v7 =	vadd.f32 v7, v6  }
0x41: {  	[tilespmem:s14+$0xFFFFFFE0] =	vst v13;
	v8 =	vadd.f32 v8, v6  }
0x42: {  	[tilespmem:s14+$0xFFFFFFF0] =	vst v7;
	v7 =	vadd.f32 v9, v6  }
0x43: {  	[tilespmem:s14+$0x0] =	vst v8;
	v8 =	vadd.f32 v10, v6  }
0x44: {  	v6 =	vadd.f32 v11, v6;
	[tilespmem:s14+$0x10] =	vst v7  }
0x45: {  	s15 =	sadd.s32 $0x1, s23;
	[tilespmem:s14+$0x20] =	vst v8  }
0x46: {  	s16 =	sand.u32 $0x7F0, s15;
	[tilespmem:s14+$0xFFFFFFC0] =	vst v6  }
0x47: {  	v6 =	vld [tilespmem:s16+$0x1C000];
	_ =	sdelay $0x1  }
0x48: {  	v9 =	vld [tilespmem:s13+$0x0]  }
0x49: {  	v11 =	vld [tilespmem:s13+$0xFFFFFFA0]  }
0x4a: {  	v7 =	vmov s15;
	v13 =	vld [tilespmem:s13+$0xFFFFFFB0]  }
0x4b: {  	v10 =	vld [tilespmem:s13+$0xFFFFFFC0];
	v6 =	vperm.xlane v6, v7  }
0x4c: {  	v8 =	vld [tilespmem:s13+$0xFFFFFFD0]  }
0x4d: {  	v7 =	vld [tilespmem:s13+$0xFFFFFFE0];
	v14 =	vadd.f32 v9, v6  }
0x4e: {  	v9 =	vld [tilespmem:s13+$0xFFFFFFF0];
	v12 =	vadd.f32 v11, v6  }
0x4f: {  	s14 =	simm.s32 $0x0;
	v11 =	vld [tilespmem:s13+$0xFFFFFF90];
	v13 =	vadd.f32 v13, v6;
	s13 =	sadd.s32 $0x80, s13;
	[tilespmem:s10+$0x0] =	vst v14  }
.LBB2_5:
0x50: {  	v14 =	vld [tilespmem:s13+$0x0];
	s14 =	sadd.s32 $0x80, s14;
	[tilespmem:s10+$0xFFFFFFA0] =	vst v12;
	v10 =	vadd.f32 v10, v6  }
0x51: {  	v12 =	vld [tilespmem:s13+$0xFFFFFFA0];
	p1 =	slt.u32 s14, $0xF80;
	[tilespmem:s10+$0xFFFFFFB0] =	vst v13;
	v8 =	vadd.f32 v8, v6  }
0x52: {  	v13 =	vld [tilespmem:s13+$0xFFFFFFB0];
	[tilespmem:s10+$0xFFFFFFC0] =	vst v10;
	v7 =	vadd.f32 v7, v6  }
.Ltmp1:
0x53: {  	v10 =	vld [tilespmem:s13+$0xFFFFFFC0];
	[tilespmem:s10+$0xFFFFFFD0] =	vst v8;
	v9 =	vadd.f32 v9, v6;
	(pc) =	sbr.rel @p1 .LBB2_5-.Ltmp1, $4  }
0x54: {  	v8 =	vld [tilespmem:s13+$0xFFFFFFD0];
	v11 =	vadd.f32 v11, v6;
	[tilespmem:s10+$0xFFFFFFE0] =	vst v7  }
0x55: {  	v7 =	vld [tilespmem:s13+$0xFFFFFFE0];
	v14 =	vadd.f32 v14, v6;
	[tilespmem:s10+$0xFFFFFFF0] =	vst v9  }
0x56: {  	v12 =	vadd.f32 v12, v6;
	v9 =	vld [tilespmem:s13+$0xFFFFFFF0];
	[tilespmem:s10+$0xFFFFFF90] =	vst v11;
	s10 =	sadd.s32 $0x80, s10  }
0x57: {  	v11 =	vld [tilespmem:s13+$0xFFFFFF90];
	v13 =	vadd.f32 v13, v6;
	[tilespmem:s10+$0x0] =	vst v14;
	s13 =	sadd.s32 $0x80, s13  }
0x58: {  	[tilespmem:s10+$0xFFFFFFA0] =	vst v12;
	v10 =	vadd.f32 v10, v6  }
0x59: {  	[tilespmem:s10+$0xFFFFFFB0] =	vst v13;
	v8 =	vadd.f32 v8, v6  }
0x5a: {  	[tilespmem:s10+$0xFFFFFFC0] =	vst v10;
	v7 =	vadd.f32 v7, v6  }
0x5b: {  	[tilespmem:s10+$0xFFFFFFD0] =	vst v8;
	v8 =	vadd.f32 v9, v6  }
0x5c: {  	v6 =	vadd.f32 v11, v6;
	[tilespmem:s10+$0xFFFFFFE0] =	vst v7  }
0x5d: {  	s13 =	sadd.s32 $0x2, s23;
	[tilespmem:s10+$0xFFFFFFF0] =	vst v8  }
0x5e: {  	s16 =	sand.u32 $0x7F0, s13;
	[tilespmem:s10+$0xFFFFFF90] =	vst v6  }
0x5f: {  	v6 =	vld [tilespmem:s16+$0x1C000];
	_ =	sdelay $0x1  }
0x60: {  	v9 =	vld [tilespmem:s9+$0x0]  }
0x61: {  	v11 =	vld [tilespmem:s9+$0xFFFFFFA0]  }
0x62: {  	v7 =	vmov s13;
	v13 =	vld [tilespmem:s9+$0xFFFFFFB0]  }
0x63: {  	v10 =	vld [tilespmem:s9+$0xFFFFFFC0];
	v6 =	vperm.xlane v6, v7  }
0x64: {  	v8 =	vld [tilespmem:s9+$0xFFFFFFD0]  }
0x65: {  	v7 =	vld [tilespmem:s9+$0xFFFFFFE0];
	v14 =	vadd.f32 v9, v6  }
0x66: {  	v9 =	vld [tilespmem:s9+$0xFFFFFFF0];
	v12 =	vadd.f32 v11, v6  }
0x67: {  	s10 =	simm.s32 $0x0;
	v11 =	vld [tilespmem:s9+$0xFFFFFF90];
	v13 =	vadd.f32 v13, v6;
	s9 =	sadd.s32 $0x80, s9;
	[tilespmem:s8+$0x0] =	vst v14  }
.LBB2_7:
0x68: {  	v14 =	vld [tilespmem:s9+$0x0];
	s10 =	sadd.s32 $0x80, s10;
	[tilespmem:s8+$0xFFFFFFA0] =	vst v12;
	v10 =	vadd.f32 v10, v6  }
0x69: {  	v12 =	vld [tilespmem:s9+$0xFFFFFFA0];
	p1 =	slt.u32 s10, $0xF80;
	[tilespmem:s8+$0xFFFFFFB0] =	vst v13;
	v8 =	vadd.f32 v8, v6  }
0x6a: {  	v13 =	vld [tilespmem:s9+$0xFFFFFFB0];
	[tilespmem:s8+$0xFFFFFFC0] =	vst v10;
	v7 =	vadd.f32 v7, v6  }
.Ltmp2:
0x6b: {  	v10 =	vld [tilespmem:s9+$0xFFFFFFC0];
	[tilespmem:s8+$0xFFFFFFD0] =	vst v8;
	v9 =	vadd.f32 v9, v6;
	(pc) =	sbr.rel @p1 .LBB2_7-.Ltmp2, $4  }
0x6c: {  	v8 =	vld [tilespmem:s9+$0xFFFFFFD0];
	v11 =	vadd.f32 v11, v6;
	[tilespmem:s8+$0xFFFFFFE0] =	vst v7  }
0x6d: {  	v7 =	vld [tilespmem:s9+$0xFFFFFFE0];
	v14 =	vadd.f32 v14, v6;
	[tilespmem:s8+$0xFFFFFFF0] =	vst v9  }
0x6e: {  	v12 =	vadd.f32 v12, v6;
	v9 =	vld [tilespmem:s9+$0xFFFFFFF0];
	[tilespmem:s8+$0xFFFFFF90] =	vst v11;
	s8 =	sadd.s32 $0x80, s8  }
0x6f: {  	v11 =	vld [tilespmem:s9+$0xFFFFFF90];
	v13 =	vadd.f32 v13, v6;
	[tilespmem:s8+$0x0] =	vst v14;
	s9 =	sadd.s32 $0x80, s9  }
0x70: {  	[tilespmem:s8+$0xFFFFFFA0] =	vst v12;
	v10 =	vadd.f32 v10, v6  }
0x71: {  	[tilespmem:s8+$0xFFFFFFB0] =	vst v13;
	v8 =	vadd.f32 v8, v6  }
0x72: {  	[tilespmem:s8+$0xFFFFFFC0] =	vst v10;
	v7 =	vadd.f32 v7, v6  }
0x73: {  	[tilespmem:s8+$0xFFFFFFD0] =	vst v8;
	v8 =	vadd.f32 v9, v6  }
0x74: {  	v6 =	vadd.f32 v11, v6;
	[tilespmem:s8+$0xFFFFFFE0] =	vst v7  }
0x75: {  	s9 =	sadd.s32 $0x3, s23;
	[tilespmem:s8+$0xFFFFFFF0] =	vst v8  }
0x76: {  	s16 =	sand.u32 $0x7F0, s9;
	[tilespmem:s8+$0xFFFFFF90] =	vst v6  }
0x77: {  	v6 =	vld [tilespmem:s16+$0x1C000];
	_ =	sdelay $0x1  }
0x78: {  	v9 =	vld [tilespmem:s7+$0x0]  }
0x79: {  	v11 =	vld [tilespmem:s7+$0xFFFFFFA0]  }
0x7a: {  	v7 =	vmov s9;
	v13 =	vld [tilespmem:s7+$0xFFFFFFB0]  }
0x7b: {  	v10 =	vld [tilespmem:s7+$0xFFFFFFC0];
	v7 =	vperm.xlane v6, v7  }
0x7c: {  	v8 =	vld [tilespmem:s7+$0xFFFFFFD0]  }
0x7d: {  	v6 =	vld [tilespmem:s7+$0xFFFFFFE0];
	v14 =	vadd.f32 v9, v7  }
0x7e: {  	v9 =	vld [tilespmem:s7+$0xFFFFFFF0];
	v12 =	vadd.f32 v11, v7  }
0x7f: {  	s8 =	simm.s32 $0x0;
	v11 =	vld [tilespmem:s7+$0xFFFFFF90];
	v13 =	vadd.f32 v13, v7;
	s7 =	sadd.s32 $0x80, s7;
	[tilespmem:s6+$0x0] =	vst v14  }
.LBB2_9:
0x80: {  	v14 =	vld [tilespmem:s7+$0x0];
	s8 =	sadd.s32 $0x80, s8;
	[tilespmem:s6+$0xFFFFFFA0] =	vst v12;
	v10 =	vadd.f32 v10, v7  }
0x81: {  	v12 =	vld [tilespmem:s7+$0xFFFFFFA0];
	p1 =	slt.u32 s8, $0xF80;
	[tilespmem:s6+$0xFFFFFFB0] =	vst v13;
	v8 =	vadd.f32 v8, v7  }
0x82: {  	v13 =	vld [tilespmem:s7+$0xFFFFFFB0];
	[tilespmem:s6+$0xFFFFFFC0] =	vst v10;
	v6 =	vadd.f32 v6, v7  }
.Ltmp3:
0x83: {  	v10 =	vld [tilespmem:s7+$0xFFFFFFC0];
	[tilespmem:s6+$0xFFFFFFD0] =	vst v8;
	v9 =	vadd.f32 v9, v7;
	(pc) =	sbr.rel @p1 .LBB2_9-.Ltmp3, $4  }
0x84: {  	v8 =	vld [tilespmem:s7+$0xFFFFFFD0];
	v11 =	vadd.f32 v11, v7;
	[tilespmem:s6+$0xFFFFFFE0] =	vst v6  }
0x85: {  	v6 =	vld [tilespmem:s7+$0xFFFFFFE0];
	v14 =	vadd.f32 v14, v7;
	[tilespmem:s6+$0xFFFFFFF0] =	vst v9  }
0x86: {  	v12 =	vadd.f32 v12, v7;
	v9 =	vld [tilespmem:s7+$0xFFFFFFF0];
	[tilespmem:s6+$0xFFFFFF90] =	vst v11;
	s6 =	sadd.s32 $0x80, s6  }
0x87: {  	v11 =	vld [tilespmem:s7+$0xFFFFFF90];
	v13 =	vadd.f32 v13, v7;
	[tilespmem:s6+$0x0] =	vst v14;
	s7 =	sadd.s32 $0x80, s7  }
0x88: {  	[tilespmem:s6+$0xFFFFFFA0] =	vst v12;
	v10 =	vadd.f32 v10, v7  }
0x89: {  	[tilespmem:s6+$0xFFFFFFB0] =	vst v13;
	v8 =	vadd.f32 v8, v7  }
0x8a: {  	[tilespmem:s6+$0xFFFFFFC0] =	vst v10;
	v10 =	vadd.f32 v6, v7  }
0x8b: {  	v6 =	vmov s26;
	[tilespmem:s6+$0xFFFFFFD0] =	vst v8;
	v8 =	vadd.f32 v9, v7  }
0x8c: {  	v7 =	vadd.f32 v11, v7;
	[tilespmem:s6+$0xFFFFFFE0] =	vst v10  }
0x8d: {  	s7 =	sadd.s32 $0x4, s23;
	[tilespmem:s6+$0xFFFFFFF0] =	vst v8  }
0x8e: {  	s26 =	sand.u32 $0x7F0, s7;
	[tilespmem:s6+$0xFFFFFF90] =	vst v7  }
0x8f: {  	s8 =	simm.s32 $0x0;
	v7 =	vld [tilespmem:s26+$0x1C000]  }
0x90: {  	v12 =	vld.idx.msk [tilespmem:v6+s8+$0x4070 ss:$0x1], $0xffff  }
0x91: {  	v15 =	vld.idx.msk [tilespmem:v6+s8+$0x4010 ss:$0x1], $0xffff  }
0x92: {  	v13 =	vld.idx.msk [tilespmem:v6+s8+$0x4020 ss:$0x1], $0xffff  }
0x93: {  	v8 =	vmov s7;
	v9 =	vld.idx.msk [tilespmem:v6+s8+$0x4030 ss:$0x1], $0xffff  }
0x94: {  	v10 =	vld.idx.msk [tilespmem:v6+s8+$0x4040 ss:$0x1], $0xffff;
	v7 =	vperm.xlane v7, v8  }
0x95: {  	v11 =	vld.idx.msk [tilespmem:v6+s8+$0x4050 ss:$0x1], $0xffff  }
0x96: {  	v8 =	vld.idx.msk [tilespmem:v6+s8+$0x4060 ss:$0x1], $0xffff;
	v14 =	vadd.f32 v12, v7  }
0x97: {  	s7 =	simm.s32 $0x0;
	s6 =	simm.s32 $0xE000;
	v12 =	vld.idx.msk [tilespmem:v6+s8+$0x4000 ss:$0x1], $0xffff;
	v15 =	vadd.f32 v15, v7;
	s8 =	simm.s32 $0x80  }
.LBB2_11:
0x98: {  	v16 =	vld.idx.msk [tilespmem:v6+s8+$0x4070 ss:$0x1], $0xffff;
	s7 =	sadd.s32 $0x80, s7;
	v17 =	vadd.f32 v13, v7;
	[tilespmem:v6+s6+$0x4070 ss:$0x1] =	vst.idx.msk $0xffff, v14  }
0x99: {  	v14 =	vadd.f32 v9, v7;
	v18 =	vld.idx.msk [tilespmem:v6+s8+$0x4010 ss:$0x1], $0xffff;
	p1 =	slt.u32 s7, $0xF80;
	[tilespmem:v6+s6+$0x4010 ss:$0x1] =	vst.idx.msk $0xffff, v15  }
0x9a: {  	v15 =	vadd.f32 v10, v7;
	v13 =	vld.idx.msk [tilespmem:v6+s8+$0x4020 ss:$0x1], $0xffff;
	[tilespmem:v6+s6+$0x4020 ss:$0x1] =	vst.idx.msk $0xffff, v17  }
.Ltmp4:
0x9b: {  	v9 =	vld.idx.msk [tilespmem:v6+s8+$0x4030 ss:$0x1], $0xffff;
	[tilespmem:v6+s6+$0x4030 ss:$0x1] =	vst.idx.msk $0xffff, v14;
	v14 =	vadd.f32 v11, v7;
	(pc) =	sbr.rel @p1 .LBB2_11-.Ltmp4, $4  }
0x9c: {  	v10 =	vld.idx.msk [tilespmem:v6+s8+$0x4040 ss:$0x1], $0xffff;
	[tilespmem:v6+s6+$0x4040 ss:$0x1] =	vst.idx.msk $0xffff, v15;
	v15 =	vadd.f32 v8, v7  }
0x9d: {  	v17 =	vadd.f32 v12, v7;
	v11 =	vld.idx.msk [tilespmem:v6+s8+$0x4050 ss:$0x1], $0xffff;
	[tilespmem:v6+s6+$0x4050 ss:$0x1] =	vst.idx.msk $0xffff, v14  }
0x9e: {  	v14 =	vadd.f32 v16, v7;
	v8 =	vld.idx.msk [tilespmem:v6+s8+$0x4060 ss:$0x1], $0xffff;
	[tilespmem:v6+s6+$0x4060 ss:$0x1] =	vst.idx.msk $0xffff, v15  }
0x9f: {  	v15 =	vadd.f32 v18, v7;
	v12 =	vld.idx.msk [tilespmem:v6+s8+$0x4000 ss:$0x1], $0xffff;
	s8 =	sadd.s32 $0x80, s8;
	[tilespmem:v6+s6+$0x4000 ss:$0x1] =	vst.idx.msk $0xffff, v17;
	s6 =	sadd.s32 $0x80, s6  }
0xa0: {  	_ =	sdelay $0x3  }
0xa1: {  	v13 =	vadd.f32 v13, v7;
	[tilespmem:v6+s6+$0x4070 ss:$0x1] =	vst.idx.msk $0xffff, v14  }
0xa2: {  	v9 =	vadd.f32 v9, v7;
	[tilespmem:v6+s6+$0x4010 ss:$0x1] =	vst.idx.msk $0xffff, v15  }
0xa3: {  	v10 =	vadd.f32 v10, v7;
	[tilespmem:v6+s6+$0x4020 ss:$0x1] =	vst.idx.msk $0xffff, v13  }
0xa4: {  	[tilespmem:v6+s6+$0x4030 ss:$0x1] =	vst.idx.msk $0xffff, v9;
	v9 =	vadd.f32 v11, v7  }
0xa5: {  	[tilespmem:v6+s6+$0x4040 ss:$0x1] =	vst.idx.msk $0xffff, v10;
	v8 =	vadd.f32 v8, v7  }
0xa6: {  	v7 =	vadd.f32 v12, v7;
	[tilespmem:v6+s6+$0x4050 ss:$0x1] =	vst.idx.msk $0xffff, v9  }
0xa7: {  	s7 =	sadd.s32 $0x5, s23;
	[tilespmem:v6+s6+$0x4060 ss:$0x1] =	vst.idx.msk $0xffff, v8  }
0xa8: {  	s26 =	sand.u32 $0x7F0, s7;
	[tilespmem:v6+s6+$0x4000 ss:$0x1] =	vst.idx.msk $0xffff, v7  }
0xa9: {  	s8 =	simm.s32 $0x0;
	v7 =	vld [tilespmem:s26+$0x1C000]  }
0xaa: {  	v12 =	vld.idx.msk [tilespmem:v6+s8+$0x5070 ss:$0x1], $0xffff  }
0xab: {  	v15 =	vld.idx.msk [tilespmem:v6+s8+$0x5010 ss:$0x1], $0xffff  }
0xac: {  	v13 =	vld.idx.msk [tilespmem:v6+s8+$0x5020 ss:$0x1], $0xffff  }
0xad: {  	v8 =	vmov s7;
	v9 =	vld.idx.msk [tilespmem:v6+s8+$0x5030 ss:$0x1], $0xffff  }
0xae: {  	v10 =	vld.idx.msk [tilespmem:v6+s8+$0x5040 ss:$0x1], $0xffff;
	v7 =	vperm.xlane v7, v8  }
0xaf: {  	v11 =	vld.idx.msk [tilespmem:v6+s8+$0x5050 ss:$0x1], $0xffff  }
0xb0: {  	v8 =	vld.idx.msk [tilespmem:v6+s8+$0x5060 ss:$0x1], $0xffff;
	v14 =	vadd.f32 v12, v7  }
0xb1: {  	s7 =	simm.s32 $0x0;
	s6 =	simm.s32 $0xE000;
	v12 =	vld.idx.msk [tilespmem:v6+s8+$0x5000 ss:$0x1], $0xffff;
	v15 =	vadd.f32 v15, v7;
	s8 =	simm.s32 $0x80  }
.LBB2_13:
0xb2: {  	v16 =	vld.idx.msk [tilespmem:v6+s8+$0x5070 ss:$0x1], $0xffff;
	s7 =	sadd.s32 $0x80, s7;
	v17 =	vadd.f32 v13, v7;
	[tilespmem:v6+s6+$0x5070 ss:$0x1] =	vst.idx.msk $0xffff, v14  }
0xb3: {  	v14 =	vadd.f32 v9, v7;
	v18 =	vld.idx.msk [tilespmem:v6+s8+$0x5010 ss:$0x1], $0xffff;
	p1 =	slt.u32 s7, $0xF80;
	[tilespmem:v6+s6+$0x5010 ss:$0x1] =	vst.idx.msk $0xffff, v15  }
0xb4: {  	v15 =	vadd.f32 v10, v7;
	v13 =	vld.idx.msk [tilespmem:v6+s8+$0x5020 ss:$0x1], $0xffff;
	[tilespmem:v6+s6+$0x5020 ss:$0x1] =	vst.idx.msk $0xffff, v17  }
.Ltmp5:
0xb5: {  	v9 =	vld.idx.msk [tilespmem:v6+s8+$0x5030 ss:$0x1], $0xffff;
	[tilespmem:v6+s6+$0x5030 ss:$0x1] =	vst.idx.msk $0xffff, v14;
	v14 =	vadd.f32 v11, v7;
	(pc) =	sbr.rel @p1 .LBB2_13-.Ltmp5, $4  }
0xb6: {  	v10 =	vld.idx.msk [tilespmem:v6+s8+$0x5040 ss:$0x1], $0xffff;
	[tilespmem:v6+s6+$0x5040 ss:$0x1] =	vst.idx.msk $0xffff, v15;
	v15 =	vadd.f32 v8, v7  }
0xb7: {  	v17 =	vadd.f32 v12, v7;
	v11 =	vld.idx.msk [tilespmem:v6+s8+$0x5050 ss:$0x1], $0xffff;
	[tilespmem:v6+s6+$0x5050 ss:$0x1] =	vst.idx.msk $0xffff, v14  }
0xb8: {  	v14 =	vadd.f32 v16, v7;
	v8 =	vld.idx.msk [tilespmem:v6+s8+$0x5060 ss:$0x1], $0xffff;
	[tilespmem:v6+s6+$0x5060 ss:$0x1] =	vst.idx.msk $0xffff, v15  }
0xb9: {  	v15 =	vadd.f32 v18, v7;
	v12 =	vld.idx.msk [tilespmem:v6+s8+$0x5000 ss:$0x1], $0xffff;
	s8 =	sadd.s32 $0x80, s8;
	[tilespmem:v6+s6+$0x5000 ss:$0x1] =	vst.idx.msk $0xffff, v17;
	s6 =	sadd.s32 $0x80, s6  }
0xba: {  	_ =	sdelay $0x3  }
0xbb: {  	v13 =	vadd.f32 v13, v7;
	[tilespmem:v6+s6+$0x5070 ss:$0x1] =	vst.idx.msk $0xffff, v14  }
0xbc: {  	v9 =	vadd.f32 v9, v7;
	[tilespmem:v6+s6+$0x5010 ss:$0x1] =	vst.idx.msk $0xffff, v15  }
0xbd: {  	v10 =	vadd.f32 v10, v7;
	[tilespmem:v6+s6+$0x5020 ss:$0x1] =	vst.idx.msk $0xffff, v13  }
0xbe: {  	[tilespmem:v6+s6+$0x5030 ss:$0x1] =	vst.idx.msk $0xffff, v9;
	v9 =	vadd.f32 v11, v7  }
0xbf: {  	[tilespmem:v6+s6+$0x5040 ss:$0x1] =	vst.idx.msk $0xffff, v10;
	v8 =	vadd.f32 v8, v7  }
0xc0: {  	v7 =	vadd.f32 v12, v7;
	[tilespmem:v6+s6+$0x5050 ss:$0x1] =	vst.idx.msk $0xffff, v9  }
0xc1: {  	s7 =	sadd.s32 $0x6, s23;
	[tilespmem:v6+s6+$0x5060 ss:$0x1] =	vst.idx.msk $0xffff, v8  }
0xc2: {  	s26 =	sand.u32 $0x7F0, s7;
	[tilespmem:v6+s6+$0x5000 ss:$0x1] =	vst.idx.msk $0xffff, v7  }
0xc3: {  	s8 =	simm.s32 $0x0;
	v7 =	vld [tilespmem:s26+$0x1C000]  }
0xc4: {  	v12 =	vld.idx.msk [tilespmem:v6+s8+$0x6070 ss:$0x1], $0xffff  }
0xc5: {  	v15 =	vld.idx.msk [tilespmem:v6+s8+$0x6010 ss:$0x1], $0xffff  }
0xc6: {  	v13 =	vld.idx.msk [tilespmem:v6+s8+$0x6020 ss:$0x1], $0xffff  }
0xc7: {  	v8 =	vmov s7;
	v9 =	vld.idx.msk [tilespmem:v6+s8+$0x6030 ss:$0x1], $0xffff  }
0xc8: {  	v10 =	vld.idx.msk [tilespmem:v6+s8+$0x6040 ss:$0x1], $0xffff;
	v7 =	vperm.xlane v7, v8  }
0xc9: {  	v11 =	vld.idx.msk [tilespmem:v6+s8+$0x6050 ss:$0x1], $0xffff  }
0xca: {  	v8 =	vld.idx.msk [tilespmem:v6+s8+$0x6060 ss:$0x1], $0xffff;
	v14 =	vadd.f32 v12, v7  }
0xcb: {  	s7 =	simm.s32 $0x0;
	s6 =	simm.s32 $0xE000;
	v12 =	vld.idx.msk [tilespmem:v6+s8+$0x6000 ss:$0x1], $0xffff;
	v15 =	vadd.f32 v15, v7;
	s8 =	simm.s32 $0x80  }
.LBB2_15:
0xcc: {  	v16 =	vld.idx.msk [tilespmem:v6+s8+$0x6070 ss:$0x1], $0xffff;
	s7 =	sadd.s32 $0x80, s7;
	v17 =	vadd.f32 v13, v7;
	[tilespmem:v6+s6+$0x6070 ss:$0x1] =	vst.idx.msk $0xffff, v14  }
0xcd: {  	v14 =	vadd.f32 v9, v7;
	v18 =	vld.idx.msk [tilespmem:v6+s8+$0x6010 ss:$0x1], $0xffff;
	p1 =	slt.u32 s7, $0xF80;
	[tilespmem:v6+s6+$0x6010 ss:$0x1] =	vst.idx.msk $0xffff, v15  }
0xce: {  	v15 =	vadd.f32 v10, v7;
	v13 =	vld.idx.msk [tilespmem:v6+s8+$0x6020 ss:$0x1], $0xffff;
	[tilespmem:v6+s6+$0x6020 ss:$0x1] =	vst.idx.msk $0xffff, v17  }
.Ltmp6:
0xcf: {  	v9 =	vld.idx.msk [tilespmem:v6+s8+$0x6030 ss:$0x1], $0xffff;
	[tilespmem:v6+s6+$0x6030 ss:$0x1] =	vst.idx.msk $0xffff, v14;
	v14 =	vadd.f32 v11, v7;
	(pc) =	sbr.rel @p1 .LBB2_15-.Ltmp6, $4  }
0xd0: {  	v10 =	vld.idx.msk [tilespmem:v6+s8+$0x6040 ss:$0x1], $0xffff;
	[tilespmem:v6+s6+$0x6040 ss:$0x1] =	vst.idx.msk $0xffff, v15;
	v15 =	vadd.f32 v8, v7  }
0xd1: {  	v17 =	vadd.f32 v12, v7;
	v11 =	vld.idx.msk [tilespmem:v6+s8+$0x6050 ss:$0x1], $0xffff;
	[tilespmem:v6+s6+$0x6050 ss:$0x1] =	vst.idx.msk $0xffff, v14  }
0xd2: {  	v14 =	vadd.f32 v16, v7;
	v8 =	vld.idx.msk [tilespmem:v6+s8+$0x6060 ss:$0x1], $0xffff;
	[tilespmem:v6+s6+$0x6060 ss:$0x1] =	vst.idx.msk $0xffff, v15  }
0xd3: {  	v15 =	vadd.f32 v18, v7;
	v12 =	vld.idx.msk [tilespmem:v6+s8+$0x6000 ss:$0x1], $0xffff;
	s8 =	sadd.s32 $0x80, s8;
	[tilespmem:v6+s6+$0x6000 ss:$0x1] =	vst.idx.msk $0xffff, v17;
	s6 =	sadd.s32 $0x80, s6  }
0xd4: {  	_ =	sdelay $0x3  }
0xd5: {  	v13 =	vadd.f32 v13, v7;
	[tilespmem:v6+s6+$0x6070 ss:$0x1] =	vst.idx.msk $0xffff, v14  }
0xd6: {  	v9 =	vadd.f32 v9, v7;
	[tilespmem:v6+s6+$0x6010 ss:$0x1] =	vst.idx.msk $0xffff, v15  }
0xd7: {  	v10 =	vadd.f32 v10, v7;
	[tilespmem:v6+s6+$0x6020 ss:$0x1] =	vst.idx.msk $0xffff, v13  }
0xd8: {  	[tilespmem:v6+s6+$0x6030 ss:$0x1] =	vst.idx.msk $0xffff, v9;
	v63 =	vadd.f32 v11, v7  }
0xd9: {  	p1 =	sgt.u32 s29, $0x35;
	[tilespmem:v6+s6+$0x6040 ss:$0x1] =	vst.idx.msk $0xffff, v10;
	v8 =	vadd.f32 v8, v7  }
0xda: {  	s1 =	sadd.s32 @!p1 s1, s12;
	v7 =	vadd.f32 v12, v7;
	[tilespmem:v6+s6+$0x6050 ss:$0x1] =	vst.idx.msk $0xffff, v63  }
0xdb: {  	s7 =	sshll.u32 s20, $0x9;
	s31 =	sadd.s32 $0x3, s31;
	s1 =	sshll.u32 @!p1 s1, $0x9;
	[tilespmem:v6+s6+$0x6060 ss:$0x1] =	vst.idx.msk $0xffff, v8  }
0xdc: {  	s8 =	sadd.s32 $0xE000, s0;
	s7 =	sadd.s32 s7, s11;
	s1 =	sand.u32 @!p1 $0x1FFFFE00, s1;
	[tilespmem:v6+s6+$0x6000 ss:$0x1] =	vst.idx.msk $0xffff, v7  }
0xdd: {  	[hbm4b:s7+s3] =	stream.linear.scatter [tilespmem:s8], [sflag:s31], $0x7000, $0x38;
	[tilespmem:$0x1E200] =	vst v63  }
0xde: {  	s29 =	sadd.s32 $0x1, s29;
	s1 =	sadd.s32 @!p1 s2, s1;
	s6 =	simm.s32 @!p1 $0x0  }
0xdf: {  	[tilespmem:s0], [sflag:s30] =	stream.linear.gather @!p1 [hbm4b:s1+s6], $0x7000, $0x38;
	[tilespmem:$0x1E200] =	vst v63  }
0xe0: {  	p1 =	sne.s32 s29, $0x38  }
.Ltmp7:
0xe1: {  	_ = 	snop;
	(pc) =	sbr.rel @p1 .LBB2_2-.Ltmp7, $2  }
0xe2: {  	_ =	sdelay $0x2  }
0xe3: {  	p0 =	por !p0, !p0  }
0xe4: {  	_ =	swait.ge [sflag:s24], $0x7000  }
0xe5: {  	[sflag:s24] =	ssyncset.done $0x0  }
0xe6: {  	[sflag:s24] =	ssyncadd.s32 $0xFFFF9000  }
0xe7: {  	_ =	swait.ge [sflag:s25], $0x7000  }
0xe8: {  	[sflag:s25] =	ssyncset.done $0x0  }
0xe9: {  	s0 =	rddreg [dreg:$0x8];
	[sflag:s25] =	ssyncadd.s32 $0xFFFF9000  }
0xea: {  	[tilespmem:s3], [sflag:$0x5] =	stream.linear.gather [hbm4b:s0+s3], $0x6000, $0x38;
	[tilespmem:$0x1E200] =	vst v63  }
0xeb: {  	_ =	swait.ge [sflag:s21], $0x6000  }
0xec: {  	[sflag:s21] =	ssyncset.done $0x0  }
0xed: {  	[sflag:s21] =	ssyncadd.s32 $0xFFFFA000  }
0xee: {  	v6 =	vld [tilespmem:$0x1C180]  }
0xef: {  	s6 =	simm.s32 $0x40  }
0xf0: {  	v9 =	vld [tilespmem:s6+$0x30]  }
0xf1: {  	v11 =	vld [tilespmem:s6+$0xFFFFFFD0]  }
0xf2: {  	v13 =	vld [tilespmem:s6+$0xFFFFFFE0]  }
0xf3: {  	v10 =	vld [tilespmem:s6+$0xFFFFFFF0];
	v6 =	vperm.xlane v6, v0  }
0xf4: {  	v8 =	vld [tilespmem:s6+$0x0]  }
0xf5: {  	v7 =	vld [tilespmem:s6+$0x10];
	v14 =	vadd.f32 v9, v6  }
0xf6: {  	s0 =	simm.s32 $0xE040;
	v9 =	vld [tilespmem:s6+$0x20];
	v12 =	vadd.f32 v11, v6  }
0xf7: {  	s1 =	simm.s32 $0x0;
	v11 =	vld [tilespmem:s6+$0xFFFFFFC0];
	v13 =	vadd.f32 v13, v6;
	s6 =	simm.s32 $0xC0;
	[tilespmem:s0+$0x30] =	vst v14  }
.LBB2_18:
0xf8: {  	v14 =	vld [tilespmem:s6+$0x30];
	s1 =	sadd.s32 $0x80, s1;
	[tilespmem:s0+$0xFFFFFFD0] =	vst v12;
	v10 =	vadd.f32 v10, v6  }
0xf9: {  	v12 =	vld [tilespmem:s6+$0xFFFFFFD0];
	p0 =	slt.u32 s1, $0xF80;
	[tilespmem:s0+$0xFFFFFFE0] =	vst v13;
	v8 =	vadd.f32 v8, v6  }
0xfa: {  	v13 =	vld [tilespmem:s6+$0xFFFFFFE0];
	[tilespmem:s0+$0xFFFFFFF0] =	vst v10;
	v7 =	vadd.f32 v7, v6  }
.Ltmp8:
0xfb: {  	v10 =	vld [tilespmem:s6+$0xFFFFFFF0];
	[tilespmem:s0+$0x0] =	vst v8;
	v9 =	vadd.f32 v9, v6;
	(pc) =	sbr.rel @p0 .LBB2_18-.Ltmp8, $4  }
0xfc: {  	v8 =	vld [tilespmem:s6+$0x0];
	v11 =	vadd.f32 v11, v6;
	[tilespmem:s0+$0x10] =	vst v7  }
0xfd: {  	v7 =	vld [tilespmem:s6+$0x10];
	v14 =	vadd.f32 v14, v6;
	[tilespmem:s0+$0x20] =	vst v9  }
0xfe: {  	v12 =	vadd.f32 v12, v6;
	v9 =	vld [tilespmem:s6+$0x20];
	[tilespmem:s0+$0xFFFFFFC0] =	vst v11;
	s0 =	sadd.s32 $0x80, s0  }
0xff: {  	v11 =	vld [tilespmem:s6+$0xFFFFFFC0];
	v13 =	vadd.f32 v13, v6;
	[tilespmem:s0+$0x30] =	vst v14;
	s6 =	sadd.s32 $0x80, s6  }
0x100: {  	[tilespmem:s0+$0xFFFFFFD0] =	vst v12;
	v10 =	vadd.f32 v10, v6  }
0x101: {  	[tilespmem:s0+$0xFFFFFFE0] =	vst v13;
	v8 =	vadd.f32 v8, v6  }
0x102: {  	[tilespmem:s0+$0xFFFFFFF0] =	vst v10;
	v7 =	vadd.f32 v7, v6  }
0x103: {  	[tilespmem:s0+$0x0] =	vst v8;
	v8 =	vadd.f32 v9, v6  }
0x104: {  	v6 =	vadd.f32 v11, v6;
	[tilespmem:s0+$0x10] =	vst v7  }
0x105: {  	[tilespmem:s0+$0x20] =	vst v8  }
0x106: {  	[tilespmem:s0+$0xFFFFFFC0] =	vst v6  }
0x107: {  	v6 =	vld [tilespmem:$0x1C180]  }
0x108: {  	s6 =	simm.s32 $0x1070  }
0x109: {  	v9 =	vld [tilespmem:s6+$0x0]  }
0x10a: {  	v11 =	vld [tilespmem:s6+$0xFFFFFFA0]  }
0x10b: {  	v13 =	vld [tilespmem:s6+$0xFFFFFFB0]  }
0x10c: {  	v10 =	vld [tilespmem:s6+$0xFFFFFFC0];
	v6 =	vperm.xlane v6, v1  }
0x10d: {  	v8 =	vld [tilespmem:s6+$0xFFFFFFD0]  }
0x10e: {  	v7 =	vld [tilespmem:s6+$0xFFFFFFE0];
	v14 =	vadd.f32 v9, v6  }
0x10f: {  	s0 =	simm.s32 $0xF070;
	v9 =	vld [tilespmem:s6+$0xFFFFFFF0];
	v12 =	vadd.f32 v11, v6  }
0x110: {  	s1 =	simm.s32 $0x0;
	v11 =	vld [tilespmem:s6+$0xFFFFFF90];
	v13 =	vadd.f32 v13, v6;
	s6 =	simm.s32 $0x10F0;
	[tilespmem:s0+$0x0] =	vst v14  }
.LBB2_20:
0x111: {  	v14 =	vld [tilespmem:s6+$0x0];
	s1 =	sadd.s32 $0x80, s1;
	[tilespmem:s0+$0xFFFFFFA0] =	vst v12;
	v10 =	vadd.f32 v10, v6  }
0x112: {  	v12 =	vld [tilespmem:s6+$0xFFFFFFA0];
	p0 =	slt.u32 s1, $0xF80;
	[tilespmem:s0+$0xFFFFFFB0] =	vst v13;
	v8 =	vadd.f32 v8, v6  }
0x113: {  	v13 =	vld [tilespmem:s6+$0xFFFFFFB0];
	[tilespmem:s0+$0xFFFFFFC0] =	vst v10;
	v7 =	vadd.f32 v7, v6  }
.Ltmp9:
0x114: {  	v10 =	vld [tilespmem:s6+$0xFFFFFFC0];
	[tilespmem:s0+$0xFFFFFFD0] =	vst v8;
	v9 =	vadd.f32 v9, v6;
	(pc) =	sbr.rel @p0 .LBB2_20-.Ltmp9, $4  }
0x115: {  	v8 =	vld [tilespmem:s6+$0xFFFFFFD0];
	v11 =	vadd.f32 v11, v6;
	[tilespmem:s0+$0xFFFFFFE0] =	vst v7  }
0x116: {  	v7 =	vld [tilespmem:s6+$0xFFFFFFE0];
	v14 =	vadd.f32 v14, v6;
	[tilespmem:s0+$0xFFFFFFF0] =	vst v9  }
0x117: {  	v12 =	vadd.f32 v12, v6;
	v9 =	vld [tilespmem:s6+$0xFFFFFFF0];
	[tilespmem:s0+$0xFFFFFF90] =	vst v11;
	s0 =	sadd.s32 $0x80, s0  }
0x118: {  	v11 =	vld [tilespmem:s6+$0xFFFFFF90];
	v13 =	vadd.f32 v13, v6;
	[tilespmem:s0+$0x0] =	vst v14;
	s6 =	sadd.s32 $0x80, s6  }
0x119: {  	[tilespmem:s0+$0xFFFFFFA0] =	vst v12;
	v10 =	vadd.f32 v10, v6  }
0x11a: {  	[tilespmem:s0+$0xFFFFFFB0] =	vst v13;
	v8 =	vadd.f32 v8, v6  }
0x11b: {  	[tilespmem:s0+$0xFFFFFFC0] =	vst v10;
	v7 =	vadd.f32 v7, v6  }
0x11c: {  	[tilespmem:s0+$0xFFFFFFD0] =	vst v8;
	v8 =	vadd.f32 v9, v6  }
0x11d: {  	v6 =	vadd.f32 v11, v6;
	[tilespmem:s0+$0xFFFFFFE0] =	vst v7  }
0x11e: {  	[tilespmem:s0+$0xFFFFFFF0] =	vst v8  }
0x11f: {  	[tilespmem:s0+$0xFFFFFF90] =	vst v6  }
0x120: {  	s0 =	rddreg [dreg:$0x9]  }
0x121: {  	v6 =	vld [tilespmem:s0+$0x1C000]  }
0x122: {  	s6 =	simm.s32 $0x2070  }
0x123: {  	v9 =	vld [tilespmem:s6+$0x0]  }
0x124: {  	v11 =	vld [tilespmem:s6+$0xFFFFFFA0]  }
0x125: {  	v13 =	vld [tilespmem:s6+$0xFFFFFFB0]  }
0x126: {  	v10 =	vld [tilespmem:s6+$0xFFFFFFC0];
	v6 =	vperm.xlane v6, v2  }
0x127: {  	v8 =	vld [tilespmem:s6+$0xFFFFFFD0]  }
0x128: {  	v7 =	vld [tilespmem:s6+$0xFFFFFFE0];
	v14 =	vadd.f32 v9, v6  }
0x129: {  	s0 =	simm.s32 $0x10070;
	v9 =	vld [tilespmem:s6+$0xFFFFFFF0];
	v12 =	vadd.f32 v11, v6  }
0x12a: {  	s1 =	simm.s32 $0x0;
	v11 =	vld [tilespmem:s6+$0xFFFFFF90];
	v13 =	vadd.f32 v13, v6;
	s6 =	simm.s32 $0x20F0;
	[tilespmem:s0+$0x0] =	vst v14  }
.LBB2_22:
0x12b: {  	v14 =	vld [tilespmem:s6+$0x0];
	s1 =	sadd.s32 $0x80, s1;
	[tilespmem:s0+$0xFFFFFFA0] =	vst v12;
	v10 =	vadd.f32 v10, v6  }
0x12c: {  	v12 =	vld [tilespmem:s6+$0xFFFFFFA0];
	p0 =	slt.u32 s1, $0xF80;
	[tilespmem:s0+$0xFFFFFFB0] =	vst v13;
	v8 =	vadd.f32 v8, v6  }
0x12d: {  	v13 =	vld [tilespmem:s6+$0xFFFFFFB0];
	[tilespmem:s0+$0xFFFFFFC0] =	vst v10;
	v7 =	vadd.f32 v7, v6  }
.Ltmp10:
0x12e: {  	v10 =	vld [tilespmem:s6+$0xFFFFFFC0];
	[tilespmem:s0+$0xFFFFFFD0] =	vst v8;
	v9 =	vadd.f32 v9, v6;
	(pc) =	sbr.rel @p0 .LBB2_22-.Ltmp10, $4  }
0x12f: {  	v8 =	vld [tilespmem:s6+$0xFFFFFFD0];
	v11 =	vadd.f32 v11, v6;
	[tilespmem:s0+$0xFFFFFFE0] =	vst v7  }
0x130: {  	v7 =	vld [tilespmem:s6+$0xFFFFFFE0];
	v14 =	vadd.f32 v14, v6;
	[tilespmem:s0+$0xFFFFFFF0] =	vst v9  }
0x131: {  	v12 =	vadd.f32 v12, v6;
	v9 =	vld [tilespmem:s6+$0xFFFFFFF0];
	[tilespmem:s0+$0xFFFFFF90] =	vst v11;
	s0 =	sadd.s32 $0x80, s0  }
0x132: {  	v11 =	vld [tilespmem:s6+$0xFFFFFF90];
	v13 =	vadd.f32 v13, v6;
	[tilespmem:s0+$0x0] =	vst v14;
	s6 =	sadd.s32 $0x80, s6  }
0x133: {  	[tilespmem:s0+$0xFFFFFFA0] =	vst v12;
	v10 =	vadd.f32 v10, v6  }
0x134: {  	[tilespmem:s0+$0xFFFFFFB0] =	vst v13;
	v8 =	vadd.f32 v8, v6  }
0x135: {  	[tilespmem:s0+$0xFFFFFFC0] =	vst v10;
	v7 =	vadd.f32 v7, v6  }
0x136: {  	[tilespmem:s0+$0xFFFFFFD0] =	vst v8;
	v8 =	vadd.f32 v9, v6  }
0x137: {  	v6 =	vadd.f32 v11, v6;
	[tilespmem:s0+$0xFFFFFFE0] =	vst v7  }
0x138: {  	[tilespmem:s0+$0xFFFFFFF0] =	vst v8  }
0x139: {  	[tilespmem:s0+$0xFFFFFF90] =	vst v6  }
0x13a: {  	s0 =	rddreg [dreg:$0xa]  }
0x13b: {  	v6 =	vld [tilespmem:s0+$0x1C000]  }
0x13c: {  	s6 =	simm.s32 $0x3070  }
0x13d: {  	v9 =	vld [tilespmem:s6+$0x0]  }
0x13e: {  	v11 =	vld [tilespmem:s6+$0xFFFFFFA0]  }
0x13f: {  	v13 =	vld [tilespmem:s6+$0xFFFFFFB0]  }
0x140: {  	v10 =	vld [tilespmem:s6+$0xFFFFFFC0];
	v6 =	vperm.xlane v6, v3  }
0x141: {  	v8 =	vld [tilespmem:s6+$0xFFFFFFD0]  }
0x142: {  	v7 =	vld [tilespmem:s6+$0xFFFFFFE0];
	v14 =	vadd.f32 v9, v6  }
0x143: {  	s0 =	simm.s32 $0x11070;
	v9 =	vld [tilespmem:s6+$0xFFFFFFF0];
	v12 =	vadd.f32 v11, v6  }
0x144: {  	s1 =	simm.s32 $0x0;
	v11 =	vld [tilespmem:s6+$0xFFFFFF90];
	v13 =	vadd.f32 v13, v6;
	s6 =	simm.s32 $0x30F0;
	[tilespmem:s0+$0x0] =	vst v14  }
.LBB2_24:
0x145: {  	v14 =	vld [tilespmem:s6+$0x0];
	s1 =	sadd.s32 $0x80, s1;
	[tilespmem:s0+$0xFFFFFFA0] =	vst v12;
	v10 =	vadd.f32 v10, v6  }
0x146: {  	v12 =	vld [tilespmem:s6+$0xFFFFFFA0];
	p0 =	slt.u32 s1, $0xF80;
	[tilespmem:s0+$0xFFFFFFB0] =	vst v13;
	v8 =	vadd.f32 v8, v6  }
0x147: {  	v13 =	vld [tilespmem:s6+$0xFFFFFFB0];
	[tilespmem:s0+$0xFFFFFFC0] =	vst v10;
	v7 =	vadd.f32 v7, v6  }
.Ltmp11:
0x148: {  	v10 =	vld [tilespmem:s6+$0xFFFFFFC0];
	[tilespmem:s0+$0xFFFFFFD0] =	vst v8;
	v9 =	vadd.f32 v9, v6;
	(pc) =	sbr.rel @p0 .LBB2_24-.Ltmp11, $4  }
0x149: {  	v8 =	vld [tilespmem:s6+$0xFFFFFFD0];
	v11 =	vadd.f32 v11, v6;
	[tilespmem:s0+$0xFFFFFFE0] =	vst v7  }
0x14a: {  	v7 =	vld [tilespmem:s6+$0xFFFFFFE0];
	v14 =	vadd.f32 v14, v6;
	[tilespmem:s0+$0xFFFFFFF0] =	vst v9  }
0x14b: {  	v12 =	vadd.f32 v12, v6;
	v9 =	vld [tilespmem:s6+$0xFFFFFFF0];
	[tilespmem:s0+$0xFFFFFF90] =	vst v11;
	s0 =	sadd.s32 $0x80, s0  }
0x14c: {  	v11 =	vld [tilespmem:s6+$0xFFFFFF90];
	v13 =	vadd.f32 v13, v6;
	[tilespmem:s0+$0x0] =	vst v14;
	s6 =	sadd.s32 $0x80, s6  }
0x14d: {  	[tilespmem:s0+$0xFFFFFFA0] =	vst v12;
	v10 =	vadd.f32 v10, v6  }
0x14e: {  	[tilespmem:s0+$0xFFFFFFB0] =	vst v13;
	v8 =	vadd.f32 v8, v6  }
0x14f: {  	[tilespmem:s0+$0xFFFFFFC0] =	vst v10;
	v7 =	vadd.f32 v7, v6  }
0x150: {  	[tilespmem:s0+$0xFFFFFFD0] =	vst v8;
	v8 =	vadd.f32 v9, v6  }
0x151: {  	v6 =	vadd.f32 v11, v6;
	[tilespmem:s0+$0xFFFFFFE0] =	vst v7  }
0x152: {  	[tilespmem:s0+$0xFFFFFFF0] =	vst v8  }
0x153: {  	[tilespmem:s0+$0xFFFFFF90] =	vst v6  }
0x154: {  	s0 =	rddreg [dreg:$0xb]  }
0x155: {  	v6 =	vld [tilespmem:s0+$0x1C000]  }
0x156: {  	s0 =	simm.s32 $0x0  }
0x157: {  	v10 =	vld [tilespmem:s0+$0x4070]  }
0x158: {  	v12 =	vld [tilespmem:s0+$0x4000]  }
0x159: {  	v11 =	vld [tilespmem:s0+$0x4010]  }
0x15a: {  	v8 =	vld [tilespmem:s0+$0x4020];
	v6 =	vperm.xlane v6, v4  }
0x15b: {  	v9 =	vld [tilespmem:s0+$0x4030]  }
0x15c: {  	v7 =	vld [tilespmem:s0+$0x4040];
	v13 =	vadd.f32 v10, v6  }
0x15d: {  	s1 =	simm.s32 $0x0;
	s6 =	simm.s32 $0x200;
	v12 =	vadd.f32 v12, v6;
	v10 =	vld [tilespmem:s0+$0x4050]  }
.LBB2_26:
0x15e: {  	s7 =	sshra.s32 s6, $0x2;
	s1 =	sadd.s32 $0x80, s1;
	v11 =	vadd.f32 v11, v6;
	v14 =	vld [tilespmem:s0+$0x4060];
	[tilespmem:s0+$0x12070] =	vst v13  }
0x15f: {  	v13 =	vld [tilespmem:s7+$0x4070];
	p0 =	slt.u32 s1, $0xF80;
	[tilespmem:s0+$0x12000] =	vst v12;
	v8 =	vadd.f32 v8, v6  }
0x160: {  	v12 =	vld [tilespmem:s7+$0x4000];
	[tilespmem:s0+$0x12010] =	vst v11;
	v9 =	vadd.f32 v9, v6  }
.Ltmp12:
0x161: {  	v11 =	vld [tilespmem:s7+$0x4010];
	[tilespmem:s0+$0x12020] =	vst v8;
	v7 =	vadd.f32 v7, v6;
	(pc) =	sbr.rel @p0 .LBB2_26-.Ltmp12, $4  }
0x162: {  	v8 =	vld [tilespmem:s7+$0x4020];
	[tilespmem:s0+$0x12030] =	vst v9;
	v10 =	vadd.f32 v10, v6  }
0x163: {  	v9 =	vld [tilespmem:s7+$0x4030];
	[tilespmem:s0+$0x12040] =	vst v7;
	v14 =	vadd.f32 v14, v6  }
0x164: {  	v7 =	vld [tilespmem:s7+$0x4040];
	v13 =	vadd.f32 v13, v6;
	[tilespmem:s0+$0x12050] =	vst v10  }
0x165: {  	s6 =	sadd.s32 $0x200, s6;
	v12 =	vadd.f32 v12, v6;
	v10 =	vld [tilespmem:s7+$0x4050];
	[tilespmem:s0+$0x12060] =	vst v14;
	s0 =	smov.u32 s7  }
0x166: {  	v11 =	vadd.f32 v11, v6;
	v14 =	vld [tilespmem:s0+$0x4060];
	[tilespmem:s0+$0x12070] =	vst v13  }
0x167: {  	[tilespmem:s0+$0x12000] =	vst v12;
	v8 =	vadd.f32 v8, v6  }
0x168: {  	[tilespmem:s0+$0x12010] =	vst v11;
	v9 =	vadd.f32 v9, v6  }
0x169: {  	[tilespmem:s0+$0x12020] =	vst v8;
	v7 =	vadd.f32 v7, v6  }
0x16a: {  	[tilespmem:s0+$0x12030] =	vst v9;
	v8 =	vadd.f32 v10, v6  }
0x16b: {  	[tilespmem:s0+$0x12040] =	vst v7;
	v6 =	vadd.f32 v14, v6  }
0x16c: {  	[tilespmem:s0+$0x12050] =	vst v8  }
0x16d: {  	[tilespmem:s0+$0x12060] =	vst v6  }
0x16e: {  	v6 =	vld [tilespmem:s17+$0x1C000]  }
0x16f: {  	s0 =	simm.s32 $0x0  }
0x170: {  	v10 =	vld [tilespmem:s0+$0x5070]  }
0x171: {  	v12 =	vld [tilespmem:s0+$0x5000]  }
0x172: {  	v11 =	vld [tilespmem:s0+$0x5010]  }
0x173: {  	v8 =	vld [tilespmem:s0+$0x5020];
	v6 =	vperm.xlane v6, v5  }
0x174: {  	v9 =	vld [tilespmem:s0+$0x5030]  }
0x175: {  	v7 =	vld [tilespmem:s0+$0x5040];
	v13 =	vadd.f32 v10, v6  }
0x176: {  	s1 =	simm.s32 $0x0;
	s6 =	simm.s32 $0x200;
	v12 =	vadd.f32 v12, v6;
	v10 =	vld [tilespmem:s0+$0x5050]  }
.LBB2_28:
0x177: {  	s7 =	sshra.s32 s6, $0x2;
	s1 =	sadd.s32 $0x80, s1;
	v11 =	vadd.f32 v11, v6;
	v14 =	vld [tilespmem:s0+$0x5060];
	[tilespmem:s0+$0x13070] =	vst v13  }
0x178: {  	v13 =	vld [tilespmem:s7+$0x5070];
	p0 =	slt.u32 s1, $0xF80;
	[tilespmem:s0+$0x13000] =	vst v12;
	v8 =	vadd.f32 v8, v6  }
0x179: {  	v12 =	vld [tilespmem:s7+$0x5000];
	[tilespmem:s0+$0x13010] =	vst v11;
	v9 =	vadd.f32 v9, v6  }
.Ltmp13:
0x17a: {  	v11 =	vld [tilespmem:s7+$0x5010];
	[tilespmem:s0+$0x13020] =	vst v8;
	v7 =	vadd.f32 v7, v6;
	(pc) =	sbr.rel @p0 .LBB2_28-.Ltmp13, $4  }
0x17b: {  	v8 =	vld [tilespmem:s7+$0x5020];
	[tilespmem:s0+$0x13030] =	vst v9;
	v10 =	vadd.f32 v10, v6  }
0x17c: {  	v9 =	vld [tilespmem:s7+$0x5030];
	[tilespmem:s0+$0x13040] =	vst v7;
	v14 =	vadd.f32 v14, v6  }
0x17d: {  	v7 =	vld [tilespmem:s7+$0x5040];
	v13 =	vadd.f32 v13, v6;
	[tilespmem:s0+$0x13050] =	vst v10  }
0x17e: {  	s6 =	sadd.s32 $0x200, s6;
	v12 =	vadd.f32 v12, v6;
	v10 =	vld [tilespmem:s7+$0x5050];
	[tilespmem:s0+$0x13060] =	vst v14;
	s0 =	smov.u32 s7  }
0x17f: {  	v11 =	vadd.f32 v11, v6;
	v14 =	vld [tilespmem:s0+$0x5060];
	[tilespmem:s0+$0x13070] =	vst v13  }
0x180: {  	[tilespmem:s0+$0x13000] =	vst v12;
	v8 =	vadd.f32 v8, v6  }
0x181: {  	[tilespmem:s0+$0x13010] =	vst v11;
	v9 =	vadd.f32 v9, v6  }
0x182: {  	[tilespmem:s0+$0x13020] =	vst v8;
	v7 =	vadd.f32 v7, v6  }
0x183: {  	[tilespmem:s0+$0x13030] =	vst v9;
	v63 =	vadd.f32 v10, v6  }
0x184: {  	s28 =	sadd.s32 $0x1, s28;
	[tilespmem:s0+$0x13040] =	vst v7;
	v6 =	vadd.f32 v14, v6  }
0x185: {  	p0 =	sne.s32 s28, s19;
	[tilespmem:s0+$0x13050] =	vst v63  }
.Ltmp14:
0x186: {  	s31 =	simm.s32 $0xE000;
	[tilespmem:s0+$0x13060] =	vst v6;
	(pc) =	sbr.rel @p0 .LBB2_1-.Ltmp14, $4  }
0x187: {  	[hbm4b:s18+s3] =	stream.linear.scatter [tilespmem:s31], [sflag:$0x5], $0x6000, $0x38;
	[tilespmem:$0x1E200] =	vst v63  }
0x188: {  	_ =	swait.ge [sflag:s21], $0x6000  }
0x189: {  	[sflag:s21] =	ssyncset.done $0x0  }
0x18a: {  	[sflag:s21] =	ssyncadd.s32 $0xFFFFA000  }
0x18b: {  	_ =	sfence.sel $0x180000  }
0x18c: {  	[bflag:$0x0] =	sbarrier.arrive $0xFFFF  }
0x18d: {  	_ =	strace $0x9000004A  }
0x18e: {  	s0 =	stileid.u32;
	[bflag:$0x2] =	sbarrier.arrive $0xFFFF  }
0x18f: {  	p0 =	sne.s32 s0, $0x0;
	s0 =	rddreg [dreg:$0x2]  }
0x190: {  	s0 =	sadd.s32 @!p0 $0x100000, s0  }
0x191: {  	[sflag:s0] =	ssyncadd.tile.s32 @!p0 $0x1;
	_ =	shalt  }
.Lfunc_end2:
_tile_overlayer_lowered:
.L_overlay_start_2:
0x192: {  	(tag) =	ssettag $0x2  }
0x193: {  	s0 =	rddreg [dreg:$0x0];
	s2 =	stileid.u32  }
0x194: {  	s1 =	rddreg [dreg:$0x1];
	p0 =	sne.s32 s2, $0x0  }
0x195: {  	s3 =	rddreg [dreg:$0x2];
	[bflag:$0x3] =	sbarrier.arrive $0xFFFF;
	s2 =	simm.s32 @!p0 $0x1C05  }
0x196: {  	[timem:s3], [sflag:s2] =	dma.local @!p0 [hbm:s0], s1  }
0x197: {  	s0 =	simm.s32 @!p0 $0x5  }
0x198: {  	_ =	swait.ge @!p0 [sflag:s0], s1  }
0x199: {  	s1 =	ssub.s32 @!p0 $0x0, s1;
	[sflag:s0] =	ssyncset.done @!p0 $0x0  }
0x19a: {  	[sflag:s0] =	ssyncadd.s32 @!p0 s1  }
0x19b: {  	[bflag:$0x3] =	sbarrier.arrive $0xFFFF  }
0x19c: {  	_ =	shalt  }

// kernel: sparse-core-data-format-call.cloned.1.call-start
scs
called_computation_lowered:
.L_overlay_start_0:
0x0: {  	s2 =	sld [smem:$0x3FD9]  }
0x1: {  	s3 =	sld [smem:$0x3FFE];
	_ =	sdelay $0x1  }
0x2: {  	s1 =	srdreg.scid  }
0x3: {  	s0 =	sand.u32 $0x1, s1  }
0x4: {  	s19 =	sshll.u32 s0, $0xA;
	s2 =	sadd.s32 s3, s2  }
0x5: {  	s2 =	sadd.s32 s2, s19  }
0x6: {  	[smem:$0x3FC3] =	sst s2  }
0x7: {  	_ = 	snop  }
0x8: {  	s2 =	sld [smem:$0x3FC9]  }
0x9: {  	s20 =	sld [smem:$0x3FD0];
	(tm) =	ssettm $0x1  }
0xa: {  	s4 =	sld [smem:$0x3FFB];
	_ =	sdelay $0x3  }
0xb: {  	_ =	strace s4  }
0xc: {  	s4 =	sld [smem:$0x3FFC];
	_ =	sdelay $0x3  }
0xd: {  	_ =	strace s4  }
0xe: {  	s4 =	sld [smem:$0x3FFD];
	_ =	sdelay $0x3  }
0xf: {  	_ =	strace s4  }
0x10: {  	_ =	strace $0x8FFFFFFF  }
0x11: {  	s21 =	sld [smem:$0x3FDB];
	_ =	sdelay $0x1  }
0x12: {  	s5 =	simm.s32 $_scs_section_size  }
0x13: {  	s6 =	simm.s32 $_size__tile_overlayer_lowered;
	s7 =	simm.s32 $_tile_overlayer_lowered  }
0x14: {  	s24 =	simm.s32 $0x1BFF;
	s23 =	sshll.u32 s7, $0x1;
	s4 =	sadd.s32 s5, s21  }
0x15: {  	s8 =	simm.s32 $0x0;
	s22 =	sshll.u32 s6, $0x1;
	s6 =	sadd.s32 s23, s4  }
0x16: {  	[timem:s8], [sflag:s24] =	dma.local [hbm:s6], s22  }
0x17: {  	_ =	swait.ge [sflag:s24], s22  }
0x18: {  	s5 =	ssub.s32 $0x0, s22;
	[sflag:s24] =	ssyncset.done $0x0  }
0x19: {  	[sflag:s24] =	ssyncadd.s32 s5;
	_ =	sdelay $0x1  }
0x1a: {  	s25 =	simm.s32 $0x1B8B  }
0x1b: {  	_ =	swait.ge [sflag:s25], $0x1  }
0x1c: {  	[sflag:s25] =	ssyncset.done $0x0  }
0x1d: {  	s26 =	simm.s32 $0x1B8E;
	[sflag:s25] =	ssyncadd.s32 $0xFFFFFFFF  }
0x1e: {  	s27 =	simm.s32 $execute0_lowered;
	[smem:$0x3FD2] =	sst s26  }
0x1f: {  	s5 =	sshll.u32 s27, $0x1;
	_ =	strace $0x80000046;
	[dreg:$0x1] =	wrdreg $0xFFFFFFFF  }
0x20: {  	s28 =	simm.s32 $_size_execute0_lowered;
	s4 =	sadd.s32 s4, s5;
	[dreg:$0x0] =	wrdreg $0x0  }
0x21: {  	s5 =	sshll.u32 s28, $0x1;
	[dreg:$0x2] =	wrdreg s4  }
0x22: {  	[dreg:$0x3] =	wrdreg s5  }
0x23: {  	[dreg:$0x4] =	wrdreg $0xC0  }
0x24: {  	_ =	task [dreg:s8], $0x5FFFF  }
0x25: {  	[dreg:$0x1] =	wrdreg $0xFFFFFFFF  }
0x26: {  	[dreg:$0x0] =	wrdreg $0x60  }
0x27: {  	[dreg:$0x2] =	wrdreg s2  }
0x28: {  	[dreg:$0x3] =	wrdreg s20  }
0x29: {  	[dreg:$0x4] =	wrdreg $0x9  }
0x2a: {  	_ =	task.clear_ibuf [dreg:s8], $0x5FFFF;
	_ =	strace $0x90000046  }
0x2b: {  	s29 =	simm.s32 $0x9;
	_ =	strace $0x80000048  }
0x2c: {  	_ =	swait.ge [sflag:s29], $0x1  }
0x2d: {  	[sflag:s29] =	ssyncadd.s32 $0xFFFFFFFF  }
0x2e: {  	_ =	strace $0x90000048  }
0x2f: {  	_ =	sfence  }
0x30: {  	s30 =	sld [smem:$0x0];
	_ =	sdelay $0x2  }
0x31: {  	s31 =	sshll.u32 s1, $0xD;
	s1 =	sshrl.u32 s1, $0x2  }
0x32: {  	s3 =	sand.u32 $0x4000, s31;
	s1 =	sadd.s32 s1, s30  }
0x33: {  	s0 =	sor.u32 s3, s0;
	s1 =	sshll.u32 s1, $0x11  }
0x34: {  	s0 =	sor.u32 s1, s0  }
0x35: {  	s0 =	sadd.s32 $0x8F2B, s0  }
0x36: {  	[sflag:s0] =	ssyncadd.remote.s32 $0x1  }
0x37: {  	_ =	sfence.sel $0xFFFF  }
0x38: {  	[dreg:$0x0] =	wrdreg $0xFFFFFFFF;
	(pc) =	sbr.abs _section_cstart, $3  }
0x39: {  	[dreg:$0x1] =	wrdreg $0xFFFFFFFF  }
0x3a: {  	_ =	task.clear_ibuf [dreg:s8], $0x2FFFF;
	_ =	strace $0x9FFFFFFF  }
0x3b: {  	(tm) =	ssettm $0x7FFFFFFF  }
tec
execute0_lowered:
.L_overlay_start_1:
0x0: {  	(tag) =	ssettag $0x1  }
0x1: {  	s0 =	srdreg.scid;
	s6 =	rddreg [dreg:$0x0]  }
0x2: {  	s2 =	rddreg [dreg:$0x1];
	s1 =	stileid.u32  }
0x3: {  	s30 =	simm.s32 $0x2;
	s13 =	simm.s32 $0x0;
	s0 =	sshll.u32 s0, $0x4  }
0x4: {  	s9 =	simm.s32 $0x1000;
	s10 =	simm.s32 $0x0;
	s3 =	sand.u32 $0x10, s0  }
0x5: {  	s14 =	simm.s32 $0x0;
	s11 =	stileid.u32;
	s4 =	ssub.s32 $0x20, s3  }
0x6: {  	s7 =	ssub.s32 $0x647, s1;
	s0 =	rddreg [dreg:$0x2];
	s5 =	sshrl.u32 s4, $0x4  }
.Ltmp0:
0x7: {  	s8 =	sshrl.u32 s4, $0x5;
	s5 =	sand.u32 $0x1, s5;
	(pc) =	sbr.rel .LBB1_1-.Ltmp0, $4  }
0x8: {  	_ =	strace $0x80000047;
	s7 =	sshrl.u32 s7, $0x4;
	s5 =	sadd.s32 s8, s5  }
0x9: {  	s31 =	sshll.u32 s3, $0x7;
	s4 =	simm.s32 $0x1;
	s5 =	smul.u32 s7, s5  }
0xa: {  	s12 =	simm.s32 $0x0;
	s6 =	sadd.s32 s6, s31;
	[sflag:s4] =	ssyncpa.u1 $0x0  }
0xb: {  	[sflag:s30] =	ssyncpa.u1 $0x0;
	s8 =	simm.s32 $0x800;
	s7 =	sadd.s32 $0x1, s5  }
.LBB1_7:
0xc: {  	s15 =	sadd.s32 $0x10, s11  }
0xd: {  	p1 =	sgt.s32 s15, $0x637  }
0xe: {  	s15 =	smov.u32 @p1 s1;
	p1 =	sne.s32 s12, s7  }
.Ltmp1:
0xf: {  	p0 =	slt.u32 s12, $0x2;
	(pc) =	sbr.rel @!p1 .LBB1_8-.Ltmp1, $4  }
0x10: {  	s13 =	simm.s32 @!p0 $0x2  }
0x11: {  	s16 =	sadd.s32 $0x1, s12;
	s14 =	smov.u32 s11;
	_ =	swait.ge @!p0 [sflag:s13], $0x4000  }
0x12: {  	s10 =	sadd.s32 $0x4000, s10;
	s12 =	smov.u32 s16;
	[sflag:s13] =	ssyncset.done @!p0 $0x0  }
0x13: {  	s11 =	smov.u32 s15;
	[sflag:s13] =	ssyncadd.s32 @!p0 $0xFFFFC000;
	s13 =	smov.u32 s3  }
.LBB1_1:
0x14: {  	p0 =	sge.u32 s12, s5  }
0x15: {  	s15 =	sxor.u32 @!p0 $0xFFFFFFFF, s12  }
0x16: {  	s31 =	sadd.s32 $0xFFFFFFFF, s12;
	s16 =	sshll.u32 @!p0 s11, $0xC;
	s15 =	sshll.u32 @!p0 s15, $0xE  }
0x17: {  	s17 =	simm.s32 @!p0 $0x0;
	s16 =	sadd.s32 @!p0 s16, s6;
	s15 =	sand.u32 @!p0 $0x4000, s15  }
0x18: {  	[tilespmem:s15], [sflag:$0x1] =	stream.linear.gather @!p0 [hbm4b:s16+s17], $0x4000, $0x38;
	[tilespmem:$0x10000] =	vst v63  }
0x19: {  	p0 =	sge.u32 s31, s5  }
.Ltmp2:
0x1a: {  	_ = 	snop;
	(pc) =	sbr.rel @p0 .LBB1_7-.Ltmp2, $1  }
0x1b: {  	_ =	sdelay $0x3  }
0x1c: {  	s16 =	sand.u32 $0x4000, s10  }
0x1d: {  	_ =	swait.ge [sflag:s4], $0x4000;
	s18 =	sshll.u32 s12, $0xE;
	s15 =	sor.u32 $0x8040, s16  }
0x1e: {  	s17 =	sor.u32 $0x40, s16;
	[sflag:s4] =	ssyncset.done $0x0;
	s31 =	sand.u32 $0x4000, s18  }
0x1f: {  	s18 =	simm.s32 $0x0;
	[sflag:s4] =	ssyncadd.s32 $0xFFFFC000;
	s16 =	sor.u32 $0x8000, s31  }
.LBB1_3:
0x20: {  	v0 =	vmov s17;
	_ =	sdelay $0x3  }
0x21: {  	s20 =	simm.s32 $0x0  }
0x22: {  	v6 =	vld.idx.msk [tilespmem:v0+s20+$0x30 ss:$0x1], $0xffff  }
0x23: {  	v7 =	vld.idx.msk [tilespmem:v0+s20+$0xFFFFFFC0 ss:$0x1], $0xffff  }
0x24: {  	v5 =	vld.idx.msk [tilespmem:v0+s20+$0xFFFFFFD0 ss:$0x1], $0xffff  }
0x25: {  	v4 =	vld.idx.msk [tilespmem:v0+s20+$0xFFFFFFE0 ss:$0x1], $0xffff  }
0x26: {  	v3 =	vld.idx.msk [tilespmem:v0+s20+$0xFFFFFFF0 ss:$0x1], $0xffff  }
0x27: {  	v1 =	vld.idx.msk [tilespmem:v0+s20+$0x0 ss:$0x1], $0xffff  }
0x28: {  	v2 =	vld.idx.msk [tilespmem:v0+s20+$0x10 ss:$0x1], $0xffff;
	[tilespmem:s15+$0x30] =	vst v6  }
0x29: {  	s19 =	simm.s32 $0x80;
	s21 =	simm.s32 $0x400;
	[tilespmem:s15+$0xFFFFFFC0] =	vst v7;
	v6 =	vld.idx.msk [tilespmem:v0+s20+$0x20 ss:$0x1], $0xffff;
	s20 =	smov.u32 s15  }
.LBB1_4:
0x2a: {  	p0 =	sne.s32 s21, $0xE00;
	v7 =	vld.idx.msk [tilespmem:v0+s19+$0x30 ss:$0x1], $0xffff;
	[tilespmem:s20+$0xFFFFFFD0] =	vst v5  }
0x2b: {  	v8 =	vld.idx.msk [tilespmem:v0+s19+$0xFFFFFFC0 ss:$0x1], $0xffff;
	[tilespmem:s20+$0xFFFFFFE0] =	vst v4  }
0x2c: {  	v5 =	vld.idx.msk [tilespmem:v0+s19+$0xFFFFFFD0 ss:$0x1], $0xffff;
	[tilespmem:s20+$0xFFFFFFF0] =	vst v3  }
.Ltmp3:
0x2d: {  	v4 =	vld.idx.msk [tilespmem:v0+s19+$0xFFFFFFE0 ss:$0x1], $0xffff;
	[tilespmem:s20+$0x0] =	vst v1;
	(pc) =	sbr.rel @p0 .LBB1_4-.Ltmp3, $4  }
0x2e: {  	v3 =	vld.idx.msk [tilespmem:v0+s19+$0xFFFFFFF0 ss:$0x1], $0xffff;
	[tilespmem:s20+$0x10] =	vst v2  }
0x2f: {  	v1 =	vld.idx.msk [tilespmem:v0+s19+$0x0 ss:$0x1], $0xffff;
	[tilespmem:s20+$0x20] =	vst v6;
	s20 =	sadd.s32 $0x800, s20  }
0x30: {  	v2 =	vld.idx.msk [tilespmem:v0+s19+$0x10 ss:$0x1], $0xffff;
	[tilespmem:s20+$0x30] =	vst v7  }
0x31: {  	[tilespmem:s20+$0xFFFFFFC0] =	vst v8;
	v6 =	vld.idx.msk [tilespmem:v0+s19+$0x20 ss:$0x1], $0xffff;
	s19 =	sshra.s32 s21, $0x2;
	s21 =	sadd.s32 $0x200, s21  }
0x32: {  	_ =	sdelay $0x2  }
0x33: {  	[tilespmem:s20+$0xFFFFFFD0] =	vst v5  }
0x34: {  	v56 =	vld.idx.msk [tilespmem:v0+s19+$0x30 ss:$0x1], $0xffff;
	[tilespmem:s20+$0xFFFFFFE0] =	vst v4  }
0x35: {  	v57 =	vld.idx.msk [tilespmem:v0+s19+$0xFFFFFFC0 ss:$0x1], $0xffff;
	[tilespmem:s20+$0xFFFFFFF0] =	vst v3  }
0x36: {  	v58 =	vld.idx.msk [tilespmem:v0+s19+$0xFFFFFFD0 ss:$0x1], $0xffff;
	[tilespmem:s20+$0x0] =	vst v1  }
0x37: {  	v59 =	vld.idx.msk [tilespmem:v0+s19+$0xFFFFFFE0 ss:$0x1], $0xffff;
	[tilespmem:s20+$0x10] =	vst v2  }
0x38: {  	v60 =	vld.idx.msk [tilespmem:v0+s19+$0xFFFFFFF0 ss:$0x1], $0xffff;
	s31 =	sadd.s32 $0x800, s20;
	[tilespmem:s20+$0x20] =	vst v6  }
0x39: {  	v61 =	vld.idx.msk [tilespmem:v0+s19+$0x0 ss:$0x1], $0xffff;
	[tilespmem:s31+$0x30] =	vst v56  }
0x3a: {  	v62 =	vld.idx.msk [tilespmem:v0+s19+$0x10 ss:$0x1], $0xffff;
	s18 =	sadd.s32 $0x1, s18;
	[tilespmem:s31+$0xFFFFFFC0] =	vst v57  }
0x3b: {  	v63 =	vld.idx.msk [tilespmem:v0+s19+$0x20 ss:$0x1], $0xffff;
	p0 =	sne.s32 s18, $0x10;
	[tilespmem:s31+$0xFFFFFFD0] =	vst v58  }
.Ltmp4:
0x3c: {  	[tilespmem:s31+$0xFFFFFFE0] =	vst v59;
	(pc) =	sbr.rel @p0 .LBB1_3-.Ltmp4, $4  }
0x3d: {  	[tilespmem:s31+$0xFFFFFFF0] =	vst v60  }
0x3e: {  	[tilespmem:s31+$0x0] =	vst v61  }
0x3f: {  	[tilespmem:s31+$0x10] =	vst v62  }
0x40: {  	s15 =	sadd.s32 $0x80, s15;
	s17 =	sadd.s32 $0x400, s17;
	[tilespmem:s31+$0x20] =	vst v63  }
.Ltmp5:
0x41: {  	(pc) =	sbr.rel .LBB1_7-.Ltmp5, $4  }
0x42: {  	s14 =	sshll.u32 s14, $0xC  }
0x43: {  	s13 =	sshll.u32 s13, $0x4;
	s14 =	sadd.s32 s2, s14  }
0x44: {  	s13 =	sadd.s32 s13, s14  }
0x45: {  	[hbm4b:s13+s8] =	stream.strided.scatter [tilespmem:s16], [sflag:$0x2], $0x4000, s9, s8, $0x38;
	[tilespmem:$0x10000] =	vst v63  }
.LBB1_8:
0x46: {  	_ =	sfence.sel $0x180000  }
0x47: {  	s2 =	simm.s32 $0x1;
	[bflag:$0x0] =	sbarrier.arrive $0xFFFF  }
0x48: {  	s31 =	simm.s32 $0x2;
	[sflag:s2] =	ssyncpa.u1 $0x1  }
0x49: {  	[sflag:s31] =	ssyncpa.u1 $0x1  }
0x4a: {  	p0 =	sne.s32 s1, $0x0;
	_ =	strace $0x90000047  }
0x4b: {  	s0 =	sadd.s32 @!p0 $0x100000, s0;
	[bflag:$0x2] =	sbarrier.arrive $0xFFFF  }
0x4c: {  	[sflag:s0] =	ssyncadd.tile.s32 @!p0 $0x1;
	_ =	shalt  }
.Lfunc_end1:
_tile_overlayer_lowered:
.L_overlay_start_2:
0x4d: {  	(tag) =	ssettag $0x2  }
0x4e: {  	s0 =	rddreg [dreg:$0x0];
	s2 =	stileid.u32  }
0x4f: {  	s1 =	rddreg [dreg:$0x1];
	p0 =	sne.s32 s2, $0x0  }
0x50: {  	s3 =	rddreg [dreg:$0x2];
	[bflag:$0x3] =	sbarrier.arrive $0xFFFF;
	s2 =	simm.s32 @!p0 $0x1C01  }
0x51: {  	[timem:s3], [sflag:s2] =	dma.local @!p0 [hbm:s0], s1  }
0x52: {  	s0 =	simm.s32 @!p0 $0x1  }
0x53: {  	_ =	swait.ge @!p0 [sflag:s0], s1  }
0x54: {  	s1 =	ssub.s32 @!p0 $0x0, s1;
	[sflag:s0] =	ssyncset.done @!p0 $0x0  }
0x55: {  	[sflag:s0] =	ssyncadd.s32 @!p0 s1  }
0x56: {  	[bflag:$0x3] =	sbarrier.arrive $0xFFFF  }
0x57: {  	_ =	shalt  }

</sc_bundles>
